<compile_context>
chip_gen: v7x
topology: tpu7x:2x2x1
jax: 0.10.2.dev20260603
libtpu: 0.0.44.dev20260713+nightly
codegen_flags: <defaults>
</compile_context>

<pallas_src>
import math

import jax
import jax.numpy as jnp
from jax import lax
from jax.experimental import pallas as pl
from jax.experimental.pallas import tpu as pltpu
from jax.experimental.pallas import tpu_sc as plsc

B, L, C = 4096, 50, 128
SCALE = math.sqrt(C)
NC, NS = 2, 16
NW = NC * NS
BPW = B // NW


def _sc_body(ph_tbl, f2_tbl, ph_idx, f2_idx, a1_in, out_hbm,
             idx_ph_v, idx_f2_v, a1_v,
             ph_st0, ph_st1, f2_st0, f2_st1, a1_st0, a1_st1,
             gsem0, gsem1, osem0, osem1):
    wid = lax.axis_index("s") * NC + lax.axis_index("c")
    base = wid * BPW
    ph_st = (ph_st0, ph_st1)
    f2_st = (f2_st0, f2_st1)
    a1_st = (a1_st0, a1_st1)
    gsem = (gsem0, gsem1)
    osem = (osem0, osem1)

    pltpu.sync_copy(ph_idx.at[wid], idx_ph_v)
    pltpu.sync_copy(f2_idx.at[wid], idx_f2_v)
    pltpu.sync_copy(a1_in.at[wid], a1_v)

    def start_gathers(l, p):
        pltpu.make_async_copy(ph_tbl.at[idx_ph_v.at[l]],
                              ph_st[p], gsem[p]).start()
        pltpu.make_async_copy(f2_tbl.at[idx_f2_v.at[l]],
                              f2_st[p], gsem[p]).start()

    def wait_gathers(l, p):
        pltpu.make_async_copy(ph_tbl.at[idx_ph_v.at[l]],
                              ph_st[p], gsem[p]).wait()
        pltpu.make_async_copy(f2_tbl.at[idx_f2_v.at[l]],
                              f2_st[p], gsem[p]).wait()

    def start_out(l, p):
        pltpu.make_async_copy(
            ph_st[p], out_hbm.at[l, pl.ds(base, BPW), pl.ds(0, C)],
            osem[p]).start()
        pltpu.make_async_copy(
            f2_st[p], out_hbm.at[l, pl.ds(base, BPW), pl.ds(C, C)],
            osem[p]).start()
        pltpu.make_async_copy(
            a1_st[p], out_hbm.at[l, pl.ds(base, BPW), pl.ds(2 * C, C)],
            osem[p]).start()

    def wait_out(l, p):
        pltpu.make_async_copy(
            ph_st[p], out_hbm.at[l, pl.ds(base, BPW), pl.ds(0, C)],
            osem[p]).wait()
        pltpu.make_async_copy(
            f2_st[p], out_hbm.at[l, pl.ds(base, BPW), pl.ds(C, C)],
            osem[p]).wait()
        pltpu.make_async_copy(
            a1_st[p], out_hbm.at[l, pl.ds(base, BPW), pl.ds(2 * C, C)],
            osem[p]).wait()

    start_gathers(0, 0)

    def pair_body(k, carry):
        for p in range(2):
            l = k * 2 + p

            @pl.when(l >= 1)
            def _():
                wait_out(l, 1 - p)

            @pl.when(l + 1 < L)
            def _():
                start_gathers(l + 1, 1 - p)

            @plsc.parallel_loop(0, BPW, unroll=4)
            def i_body(i):
                av = plsc.load_gather(a1_v, [jnp.full((16,), 0, jnp.int32)
                                             + (l * BPW + i)])
                for ck in range(0, C, 16):
                    a1_st[p][i, pl.ds(ck, 16)] = av

            wait_gathers(l, p)
            start_out(l, p)
        return carry

    lax.fori_loop(0, L // 2, pair_body, 0)

    wait_out(0, 1)


def kernel(phoneme, a1, f2, phoneme_table, f2_table):
    pht = phoneme_table * SCALE
    f2t = f2_table * SCALE
    ph_w = phoneme.reshape(NW, BPW, L).transpose(0, 2, 1)
    f2_w = f2.reshape(NW, BPW, L).transpose(0, 2, 1)
    a1_w = a1.reshape(NW, BPW, L).transpose(0, 2, 1).reshape(NW, L * BPW)

    mesh = plsc.VectorSubcoreMesh(core_axis_name="c", subcore_axis_name="s")
    f = pl.kernel(
        _sc_body,
        out_type=jax.ShapeDtypeStruct((L, B, 3 * C), jnp.float32),
        mesh=mesh,
        compiler_params=pltpu.CompilerParams(needs_layout_passes=False),
        scratch_types=[
            pltpu.VMEM((L, BPW), jnp.int32),
            pltpu.VMEM((L, BPW), jnp.int32),
            pltpu.VMEM((L * BPW,), jnp.float32),
            pltpu.VMEM((BPW, C), jnp.float32),
            pltpu.VMEM((BPW, C), jnp.float32),
            pltpu.VMEM((BPW, C), jnp.float32),
            pltpu.VMEM((BPW, C), jnp.float32),
            pltpu.VMEM((BPW, C), jnp.float32),
            pltpu.VMEM((BPW, C), jnp.float32),
            pltpu.SemaphoreType.DMA,
            pltpu.SemaphoreType.DMA,
            pltpu.SemaphoreType.DMA,
            pltpu.SemaphoreType.DMA,
        ],
    )
    out = f(pht, f2t, ph_w, f2_w, a1_w)
    return jnp.transpose(out, (1, 2, 0))

# --- scband reference (transcript-rebuilt; emitter-appended) ---
"""Pipeline reference for scband-embedding-layer-26448408609359 (READ-ONLY COPY).

The authoritative reference and input builder live on the scoring server;
editing this copy changes nothing except your own understanding.
"""

import math
import jax, jax.numpy as jnp
import numpy as np

B, L, C = 4096, 50, 128
N_P, N_F = 100000, 1000


def setup_inputs(seed: int = 0) -> dict:
    key = jax.random.key(seed)
    k1, k2, k3, k4, k5 = jax.random.split(key, 5)
    phoneme = jax.random.randint(k1, (B, L), 0, N_P, dtype=jnp.int32)
    f2 = jax.random.randint(k2, (B, L), 0, N_F, dtype=jnp.int32)
    a1 = jax.random.normal(k3, (B, L), dtype=jnp.float32)
    phoneme_table = jax.random.normal(k4, (N_P, C), dtype=jnp.float32) * (C ** -0.5)
    f2_table = jax.random.normal(k5, (N_F, C), dtype=jnp.float32) * (C ** -0.5)
    return {
        "phoneme": phoneme,
        "a1": a1,
        "f2": f2,
        "phoneme_table": phoneme_table,
        "f2_table": f2_table,
    }


def reference(phoneme, a1, f2, phoneme_table, f2_table):
    channels = phoneme_table.shape[-1]
    scale = math.sqrt(channels)
    # embedding lookups (gather rows)
    phoneme_emb = jnp.take(phoneme_table, phoneme, axis=0) * scale  # [B, L, C]
    f2_emb = jnp.take(f2_table, f2, axis=0) * scale                 # [B, L, C]
    # a1 expanded along channel dim
    a1_emb = jnp.broadcast_to(a1[..., None], phoneme_emb.shape)     # [B, L, C]
    x = jnp.concatenate([phoneme_emb, f2_emb, a1_emb], axis=-1)     # [B, L, 3C]
    x = jnp.swapaxes(x, -1, -2)                                     # [B, 3C, L]
    return x

if __name__ == "__main__":
    import jax
    _d = setup_inputs()
    print(jax.jit(kernel)(*tuple(_d.values())))

</pallas_src>

<mosaic_0001>
#map = affine_map<(d0, d1) -> (0, 0)>
#map1 = affine_map<(d0, d1) -> (0, 0, 0)>
module attributes {stable_mosaic.version = 14 : i64} {
  func.func @_sc_body(%arg0: i32, %arg1: i32, %arg2: memref<100000x128xf32, #tpu.memory_space<hbm>>, %arg3: memref<1000x128xf32, #tpu.memory_space<hbm>>, %arg4: memref<32x50x128xi32, #tpu.memory_space<hbm>>, %arg5: memref<32x50x128xi32, #tpu.memory_space<hbm>>, %arg6: memref<32x6400xf32, #tpu.memory_space<hbm>>, %arg7: memref<50x4096x384xf32, #tpu.memory_space<hbm>>, %arg8: memref<50x128xi32, #tpu.memory_space<vmem>>, %arg9: memref<50x128xi32, #tpu.memory_space<vmem>>, %arg10: memref<6400xf32, #tpu.memory_space<vmem>>, %arg11: memref<128x128xf32, #tpu.memory_space<vmem>>, %arg12: memref<128x128xf32, #tpu.memory_space<vmem>>, %arg13: memref<128x128xf32, #tpu.memory_space<vmem>>, %arg14: memref<128x128xf32, #tpu.memory_space<vmem>>, %arg15: memref<128x128xf32, #tpu.memory_space<vmem>>, %arg16: memref<128x128xf32, #tpu.memory_space<vmem>>, %arg17: memref<!tpu.dma_semaphore, #tpu.memory_space<semaphore_mem>>, %arg18: memref<!tpu.dma_semaphore, #tpu.memory_space<semaphore_mem>>, %arg19: memref<!tpu.dma_semaphore, #tpu.memory_space<semaphore_mem>>, %arg20: memref<!tpu.dma_semaphore, #tpu.memory_space<semaphore_mem>>) attributes {dimension_semantics = [#tpu.dimension_semantics<core_parallel>, #tpu.dimension_semantics<subcore_parallel>], iteration_bounds = array<i64: 2, 16>, scalar_prefetch = 0 : i64, scratch_operands = 13 : i64, tpu.core_type = #tpu.core_type<sc_vector_subcore>, window_params = [{transform_indices = #map}, {transform_indices = #map}, {transform_indices = #map1}, {transform_indices = #map1}, {transform_indices = #map}, {transform_indices = #map1}]} {
    %mul3A = arith.constant 2 : i32
    %mul3A_0 = arith.muli %arg1, %mul3A : i32
    %add3A = arith.addi %mul3A_0, %arg0 : i32
    %mul3A_1 = arith.constant 128 : i32
    %mul3A_2 = arith.muli %add3A, %mul3A_1 : i32
    "tpu.region"() ({
      %run_scoped3A = tpu.sem_alloc : memref<!tpu.dma_semaphore, #tpu.memory_space<semaphore_mem>>
      %dma_start3A_41 = arith.constant 0 : i32
      %dma_start3A_42 = arith.constant 0 : i32
      %dma_start3A_43 = tpu.memref_slice %arg4[%add3A, %dma_start3A_41, %dma_start3A_42] : memref<32x50x128xi32, #tpu.memory_space<hbm>> -> memref<1x50x128xi32, #tpu.memory_space<hbm>>
      %dma_start3A_44 = tpu.memref_squeeze %dma_start3A_43 : memref<1x50x128xi32, #tpu.memory_space<hbm>> -> memref<50x128xi32, #tpu.memory_space<hbm>>
      %dma_start3A_45 = arith.constant 0 : i32
      %dma_start3A_46 = arith.constant 0 : i32
      %dma_start3A_47 = tpu.memref_slice %arg4[%add3A, %dma_start3A_45, %dma_start3A_46] : memref<32x50x128xi32, #tpu.memory_space<hbm>> -> memref<1x50x128xi32, #tpu.memory_space<hbm>>
      %dma_start3A_48 = tpu.memref_squeeze %dma_start3A_47 : memref<1x50x128xi32, #tpu.memory_space<hbm>> -> memref<50x128xi32, #tpu.memory_space<hbm>>
      tpu.enqueue_dma source(%dma_start3A_48 : memref<50x128xi32, #tpu.memory_space<hbm>>) target(%arg8 : memref<50x128xi32, #tpu.memory_space<vmem>>) target_semaphore(%run_scoped3A : memref<!tpu.dma_semaphore, #tpu.memory_space<semaphore_mem>>)
      %dma_wait3A_49 = arith.constant 0 : i32
      %dma_wait3A_50 = arith.constant 0 : i32
      %dma_wait3A_51 = tpu.memref_slice %arg4[%add3A, %dma_wait3A_49, %dma_wait3A_50] : memref<32x50x128xi32, #tpu.memory_space<hbm>> -> memref<1x50x128xi32, #tpu.memory_space<hbm>>
      %dma_wait3A_52 = tpu.memref_squeeze %dma_wait3A_51 : memref<1x50x128xi32, #tpu.memory_space<hbm>> -> memref<50x128xi32, #tpu.memory_space<hbm>>
      %dma_wait3A_53 = arith.constant 0 : i32
      %dma_wait3A_54 = arith.constant 0 : i32
      %dma_wait3A_55 = tpu.memref_slice %arg4[%add3A, %dma_wait3A_53, %dma_wait3A_54] : memref<32x50x128xi32, #tpu.memory_space<hbm>> -> memref<1x50x128xi32, #tpu.memory_space<hbm>>
      %dma_wait3A_56 = tpu.memref_squeeze %dma_wait3A_55 : memref<1x50x128xi32, #tpu.memory_space<hbm>> -> memref<50x128xi32, #tpu.memory_space<hbm>>
      tpu.wait_dma2 semaphore(%run_scoped3A : memref<!tpu.dma_semaphore, #tpu.memory_space<semaphore_mem>>) src(%dma_wait3A_56 : memref<50x128xi32, #tpu.memory_space<hbm>>) dst(%arg8 : memref<50x128xi32, #tpu.memory_space<vmem>>)
      tpu.yield
    }) : () -> ()
    "tpu.region"() ({
      %run_scoped3A = tpu.sem_alloc : memref<!tpu.dma_semaphore, #tpu.memory_space<semaphore_mem>>
      %dma_start3A_41 = arith.constant 0 : i32
      %dma_start3A_42 = arith.constant 0 : i32
      %dma_start3A_43 = tpu.memref_slice %arg5[%add3A, %dma_start3A_41, %dma_start3A_42] : memref<32x50x128xi32, #tpu.memory_space<hbm>> -> memref<1x50x128xi32, #tpu.memory_space<hbm>>
      %dma_start3A_44 = tpu.memref_squeeze %dma_start3A_43 : memref<1x50x128xi32, #tpu.memory_space<hbm>> -> memref<50x128xi32, #tpu.memory_space<hbm>>
      %dma_start3A_45 = arith.constant 0 : i32
      %dma_start3A_46 = arith.constant 0 : i32
      %dma_start3A_47 = tpu.memref_slice %arg5[%add3A, %dma_start3A_45, %dma_start3A_46] : memref<32x50x128xi32, #tpu.memory_space<hbm>> -> memref<1x50x128xi32, #tpu.memory_space<hbm>>
      %dma_start3A_48 = tpu.memref_squeeze %dma_start3A_47 : memref<1x50x128xi32, #tpu.memory_space<hbm>> -> memref<50x128xi32, #tpu.memory_space<hbm>>
      tpu.enqueue_dma source(%dma_start3A_48 : memref<50x128xi32, #tpu.memory_space<hbm>>) target(%arg9 : memref<50x128xi32, #tpu.memory_space<vmem>>) target_semaphore(%run_scoped3A : memref<!tpu.dma_semaphore, #tpu.memory_space<semaphore_mem>>)
      %dma_wait3A_49 = arith.constant 0 : i32
      %dma_wait3A_50 = arith.constant 0 : i32
      %dma_wait3A_51 = tpu.memref_slice %arg5[%add3A, %dma_wait3A_49, %dma_wait3A_50] : memref<32x50x128xi32, #tpu.memory_space<hbm>> -> memref<1x50x128xi32, #tpu.memory_space<hbm>>
      %dma_wait3A_52 = tpu.memref_squeeze %dma_wait3A_51 : memref<1x50x128xi32, #tpu.memory_space<hbm>> -> memref<50x128xi32, #tpu.memory_space<hbm>>
      %dma_wait3A_53 = arith.constant 0 : i32
      %dma_wait3A_54 = arith.constant 0 : i32
      %dma_wait3A_55 = tpu.memref_slice %arg5[%add3A, %dma_wait3A_53, %dma_wait3A_54] : memref<32x50x128xi32, #tpu.memory_space<hbm>> -> memref<1x50x128xi32, #tpu.memory_space<hbm>>
      %dma_wait3A_56 = tpu.memref_squeeze %dma_wait3A_55 : memref<1x50x128xi32, #tpu.memory_space<hbm>> -> memref<50x128xi32, #tpu.memory_space<hbm>>
      tpu.wait_dma2 semaphore(%run_scoped3A : memref<!tpu.dma_semaphore, #tpu.memory_space<semaphore_mem>>) src(%dma_wait3A_56 : memref<50x128xi32, #tpu.memory_space<hbm>>) dst(%arg9 : memref<50x128xi32, #tpu.memory_space<vmem>>)
      tpu.yield
    }) : () -> ()
    "tpu.region"() ({
      %run_scoped3A = tpu.sem_alloc : memref<!tpu.dma_semaphore, #tpu.memory_space<semaphore_mem>>
      %dma_start3A_41 = arith.constant 0 : i32
      %dma_start3A_42 = tpu.memref_slice %arg6[%add3A, %dma_start3A_41] : memref<32x6400xf32, #tpu.memory_space<hbm>> -> memref<1x6400xf32, #tpu.memory_space<hbm>>
      %dma_start3A_43 = tpu.memref_squeeze %dma_start3A_42 : memref<1x6400xf32, #tpu.memory_space<hbm>> -> memref<6400xf32, #tpu.memory_space<hbm>>
      %dma_start3A_44 = arith.constant 0 : i32
      %dma_start3A_45 = tpu.memref_slice %arg6[%add3A, %dma_start3A_44] : memref<32x6400xf32, #tpu.memory_space<hbm>> -> memref<1x6400xf32, #tpu.memory_space<hbm>>
      %dma_start3A_46 = tpu.memref_squeeze %dma_start3A_45 : memref<1x6400xf32, #tpu.memory_space<hbm>> -> memref<6400xf32, #tpu.memory_space<hbm>>
      tpu.enqueue_dma source(%dma_start3A_46 : memref<6400xf32, #tpu.memory_space<hbm>>) target(%arg10 : memref<6400xf32, #tpu.memory_space<vmem>>) target_semaphore(%run_scoped3A : memref<!tpu.dma_semaphore, #tpu.memory_space<semaphore_mem>>)
      %dma_wait3A_47 = arith.constant 0 : i32
      %dma_wait3A_48 = tpu.memref_slice %arg6[%add3A, %dma_wait3A_47] : memref<32x6400xf32, #tpu.memory_space<hbm>> -> memref<1x6400xf32, #tpu.memory_space<hbm>>
      %dma_wait3A_49 = tpu.memref_squeeze %dma_wait3A_48 : memref<1x6400xf32, #tpu.memory_space<hbm>> -> memref<6400xf32, #tpu.memory_space<hbm>>
      %dma_wait3A_50 = arith.constant 0 : i32
      %dma_wait3A_51 = tpu.memref_slice %arg6[%add3A, %dma_wait3A_50] : memref<32x6400xf32, #tpu.memory_space<hbm>> -> memref<1x6400xf32, #tpu.memory_space<hbm>>
      %dma_wait3A_52 = tpu.memref_squeeze %dma_wait3A_51 : memref<1x6400xf32, #tpu.memory_space<hbm>> -> memref<6400xf32, #tpu.memory_space<hbm>>
      tpu.wait_dma2 semaphore(%run_scoped3A : memref<!tpu.dma_semaphore, #tpu.memory_space<semaphore_mem>>) src(%dma_wait3A_52 : memref<6400xf32, #tpu.memory_space<hbm>>) dst(%arg10 : memref<6400xf32, #tpu.memory_space<vmem>>)
      tpu.yield
    }) : () -> ()
    %dma_start3A = arith.constant 0 : i32
    %dma_start3A_3 = arith.constant 0 : i32
    %dma_start3A_4 = tpu.memref_slice %arg8[%dma_start3A, %dma_start3A_3] : memref<50x128xi32, #tpu.memory_space<vmem>> -> memref<1x128xi32, #tpu.memory_space<vmem>>
    %dma_start3A_5 = tpu.memref_squeeze %dma_start3A_4 : memref<1x128xi32, #tpu.memory_space<vmem>> -> memref<128xi32, #tpu.memory_space<vmem>>
    %dma_start3A_6 = arith.constant 0 : i32
    %dma_start3A_7 = arith.constant 0 : i32
    %dma_start3A_8 = tpu.memref_slice %arg2[%dma_start3A_6, %dma_start3A_7] : memref<100000x128xf32, #tpu.memory_space<hbm>> -> memref<100000x128xf32, #tpu.memory_space<hbm>>
    tpu.enqueue_indirect_dma source(%dma_start3A_8 : memref<100000x128xf32, #tpu.memory_space<hbm>>) target(%arg11 : memref<128x128xf32, #tpu.memory_space<vmem>>) offsets(%dma_start3A_5 : memref<128xi32, #tpu.memory_space<vmem>>) semaphore(%arg17 : memref<!tpu.dma_semaphore, #tpu.memory_space<semaphore_mem>>)
    %dma_start3A_9 = arith.constant 0 : i32
    %dma_start3A_10 = arith.constant 0 : i32
    %dma_start3A_11 = tpu.memref_slice %arg9[%dma_start3A_9, %dma_start3A_10] : memref<50x128xi32, #tpu.memory_space<vmem>> -> memref<1x128xi32, #tpu.memory_space<vmem>>
    %dma_start3A_12 = tpu.memref_squeeze %dma_start3A_11 : memref<1x128xi32, #tpu.memory_space<vmem>> -> memref<128xi32, #tpu.memory_space<vmem>>
    %dma_start3A_13 = arith.constant 0 : i32
    %dma_start3A_14 = arith.constant 0 : i32
    %dma_start3A_15 = tpu.memref_slice %arg3[%dma_start3A_13, %dma_start3A_14] : memref<1000x128xf32, #tpu.memory_space<hbm>> -> memref<1000x128xf32, #tpu.memory_space<hbm>>
    tpu.enqueue_indirect_dma source(%dma_start3A_15 : memref<1000x128xf32, #tpu.memory_space<hbm>>) target(%arg13 : memref<128x128xf32, #tpu.memory_space<vmem>>) offsets(%dma_start3A_12 : memref<128xi32, #tpu.memory_space<vmem>>) semaphore(%arg17 : memref<!tpu.dma_semaphore, #tpu.memory_space<semaphore_mem>>)
    %scan3A = arith.constant 0 : i32
    %scan3A_16 = arith.constant 0 : i32
    %scan3A_17 = arith.constant 25 : i32
    %scan3A_18 = arith.addi %scan3A_16, %scan3A_17 : i32
    %scan3A_19 = arith.constant 1 : i32
    scf.for %scan3A_41 = %scan3A_16 to %scan3A_18 step %scan3A_19  : i32 {
      %mul3A_42 = arith.constant 2 : i32
      %mul3A_43 = arith.muli %scan3A_41, %mul3A_42 : i32
      %add3A_44 = arith.constant 0 : i32
      %add3A_45 = arith.addi %mul3A_43, %add3A_44 : i32
      %ge3A = arith.constant 1 : i32
      %ge3A_46 = arith.cmpi sge, %add3A_45, %ge3A : i32
      %convert_element_type3A = arith.extui %ge3A_46 : i1 to i32
      %cond3A = arith.constant 0 : i32
      %cond3A_47 = arith.cmpi ne, %convert_element_type3A, %cond3A : i32
      scf.if %cond3A_47 {
        %dma_wait3A_135 = arith.constant 0 : i32
        %dma_wait3A_136 = tpu.memref_slice %arg7[%add3A_45, %mul3A_2, %dma_wait3A_135] : memref<50x4096x384xf32, #tpu.memory_space<hbm>> -> memref<1x128x128xf32, #tpu.memory_space<hbm>>
        %dma_wait3A_137 = tpu.memref_squeeze %dma_wait3A_136 : memref<1x128x128xf32, #tpu.memory_space<hbm>> -> memref<128x128xf32, #tpu.memory_space<hbm>>
        %dma_wait3A_138 = arith.constant 0 : i32
        %dma_wait3A_139 = tpu.memref_slice %arg7[%add3A_45, %mul3A_2, %dma_wait3A_138] : memref<50x4096x384xf32, #tpu.memory_space<hbm>> -> memref<1x128x128xf32, #tpu.memory_space<hbm>>
        %dma_wait3A_140 = tpu.memref_squeeze %dma_wait3A_139 : memref<1x128x128xf32, #tpu.memory_space<hbm>> -> memref<128x128xf32, #tpu.memory_space<hbm>>
        tpu.wait_dma2 semaphore(%arg20 : memref<!tpu.dma_semaphore, #tpu.memory_space<semaphore_mem>>) src(%arg12 : memref<128x128xf32, #tpu.memory_space<vmem>>) dst(%dma_wait3A_140 : memref<128x128xf32, #tpu.memory_space<hbm>>)
        %dma_wait3A_141 = arith.constant 128 : i32
        %dma_wait3A_142 = tpu.memref_slice %arg7[%add3A_45, %mul3A_2, %dma_wait3A_141] : memref<50x4096x384xf32, #tpu.memory_space<hbm>> -> memref<1x128x128xf32, #tpu.memory_space<hbm>>
        %dma_wait3A_143 = tpu.memref_squeeze %dma_wait3A_142 : memref<1x128x128xf32, #tpu.memory_space<hbm>> -> memref<128x128xf32, #tpu.memory_space<hbm>>
        %dma_wait3A_144 = arith.constant 128 : i32
        %dma_wait3A_145 = tpu.memref_slice %arg7[%add3A_45, %mul3A_2, %dma_wait3A_144] : memref<50x4096x384xf32, #tpu.memory_space<hbm>> -> memref<1x128x128xf32, #tpu.memory_space<hbm>>
        %dma_wait3A_146 = tpu.memref_squeeze %dma_wait3A_145 : memref<1x128x128xf32, #tpu.memory_space<hbm>> -> memref<128x128xf32, #tpu.memory_space<hbm>>
        tpu.wait_dma2 semaphore(%arg20 : memref<!tpu.dma_semaphore, #tpu.memory_space<semaphore_mem>>) src(%arg14 : memref<128x128xf32, #tpu.memory_space<vmem>>) dst(%dma_wait3A_146 : memref<128x128xf32, #tpu.memory_space<hbm>>)
        %dma_wait3A_147 = arith.constant 256 : i32
        %dma_wait3A_148 = tpu.memref_slice %arg7[%add3A_45, %mul3A_2, %dma_wait3A_147] : memref<50x4096x384xf32, #tpu.memory_space<hbm>> -> memref<1x128x128xf32, #tpu.memory_space<hbm>>
        %dma_wait3A_149 = tpu.memref_squeeze %dma_wait3A_148 : memref<1x128x128xf32, #tpu.memory_space<hbm>> -> memref<128x128xf32, #tpu.memory_space<hbm>>
        %dma_wait3A_150 = arith.constant 256 : i32
        %dma_wait3A_151 = tpu.memref_slice %arg7[%add3A_45, %mul3A_2, %dma_wait3A_150] : memref<50x4096x384xf32, #tpu.memory_space<hbm>> -> memref<1x128x128xf32, #tpu.memory_space<hbm>>
        %dma_wait3A_152 = tpu.memref_squeeze %dma_wait3A_151 : memref<1x128x128xf32, #tpu.memory_space<hbm>> -> memref<128x128xf32, #tpu.memory_space<hbm>>
        tpu.wait_dma2 semaphore(%arg20 : memref<!tpu.dma_semaphore, #tpu.memory_space<semaphore_mem>>) src(%arg16 : memref<128x128xf32, #tpu.memory_space<vmem>>) dst(%dma_wait3A_152 : memref<128x128xf32, #tpu.memory_space<hbm>>)
      } else {
      }
      %add3A_48 = arith.constant 1 : i32
      %add3A_49 = arith.addi %add3A_45, %add3A_48 : i32
      %lt3A = arith.constant 50 : i32
      %lt3A_50 = arith.cmpi slt, %add3A_49, %lt3A : i32
      %convert_element_type3A_51 = arith.extui %lt3A_50 : i1 to i32
      %cond3A_52 = arith.constant 0 : i32
      %cond3A_53 = arith.cmpi ne, %convert_element_type3A_51, %cond3A_52 : i32
      scf.if %cond3A_53 {
        %add3A_135 = arith.constant 1 : i32
        %add3A_136 = arith.addi %add3A_45, %add3A_135 : i32
        %dma_start3A_137 = arith.constant 0 : i32
        %dma_start3A_138 = tpu.memref_slice %arg8[%add3A_136, %dma_start3A_137] : memref<50x128xi32, #tpu.memory_space<vmem>> -> memref<1x128xi32, #tpu.memory_space<vmem>>
        %dma_start3A_139 = tpu.memref_squeeze %dma_start3A_138 : memref<1x128xi32, #tpu.memory_space<vmem>> -> memref<128xi32, #tpu.memory_space<vmem>>
        %dma_start3A_140 = arith.constant 0 : i32
        %dma_start3A_141 = arith.constant 0 : i32
        %dma_start3A_142 = tpu.memref_slice %arg2[%dma_start3A_140, %dma_start3A_141] : memref<100000x128xf32, #tpu.memory_space<hbm>> -> memref<100000x128xf32, #tpu.memory_space<hbm>>
        tpu.enqueue_indirect_dma source(%dma_start3A_142 : memref<100000x128xf32, #tpu.memory_space<hbm>>) target(%arg12 : memref<128x128xf32, #tpu.memory_space<vmem>>) offsets(%dma_start3A_139 : memref<128xi32, #tpu.memory_space<vmem>>) semaphore(%arg18 : memref<!tpu.dma_semaphore, #tpu.memory_space<semaphore_mem>>)
        %dma_start3A_143 = arith.constant 0 : i32
        %dma_start3A_144 = tpu.memref_slice %arg9[%add3A_136, %dma_start3A_143] : memref<50x128xi32, #tpu.memory_space<vmem>> -> memref<1x128xi32, #tpu.memory_space<vmem>>
        %dma_start3A_145 = tpu.memref_squeeze %dma_start3A_144 : memref<1x128xi32, #tpu.memory_space<vmem>> -> memref<128xi32, #tpu.memory_space<vmem>>
        %dma_start3A_146 = arith.constant 0 : i32
        %dma_start3A_147 = arith.constant 0 : i32
        %dma_start3A_148 = tpu.memref_slice %arg3[%dma_start3A_146, %dma_start3A_147] : memref<1000x128xf32, #tpu.memory_space<hbm>> -> memref<1000x128xf32, #tpu.memory_space<hbm>>
        tpu.enqueue_indirect_dma source(%dma_start3A_148 : memref<1000x128xf32, #tpu.memory_space<hbm>>) target(%arg14 : memref<128x128xf32, #tpu.memory_space<vmem>>) offsets(%dma_start3A_145 : memref<128xi32, #tpu.memory_space<vmem>>) semaphore(%arg18 : memref<!tpu.dma_semaphore, #tpu.memory_space<semaphore_mem>>)
      } else {
      }
      %parallel_loop3A = arith.constant 0 : i32
      %parallel_loop3A_54 = arith.constant 128 : i32
      %parallel_loop3A_55 = arith.constant 1 : i32
      scf.for %parallel_loop3A_135 = %parallel_loop3A to %parallel_loop3A_54 step %parallel_loop3A_55  : i32 {
        %parallel_loop3A_136 = arith.constant 0 : i32
        %parallel_loop3A_137 = vector.broadcast %parallel_loop3A_136 : i32 to vector<16xi32>
        %parallel_loop3A_138 = arith.constant 128 : i32
        %parallel_loop3A_139 = arith.muli %add3A_45, %parallel_loop3A_138 : i32
        %parallel_loop3A_140 = arith.addi %parallel_loop3A_139, %parallel_loop3A_135 : i32
        %parallel_loop3A_141 = vector.broadcast %parallel_loop3A_140 : i32 to vector<16xi32>
        %parallel_loop3A_142 = arith.addi %parallel_loop3A_137, %parallel_loop3A_141 : vector<16xi32>
        %parallel_loop3A_143 = tpu.vector_load_idx %arg10[%parallel_loop3A_142] : memref<6400xf32, #tpu.memory_space<vmem>>[vector<16xi32>], vector<16xf32>,
        %parallel_loop3A_144 = arith.index_cast %parallel_loop3A_135 : i32 to index
        %parallel_loop3A_145 = arith.constant 0 : index
        %parallel_loop3A_146 = tpu.vector_load %arg15[%parallel_loop3A_144, %parallel_loop3A_145] {strides = array<i32>} : memref<128x128xf32, #tpu.memory_space<vmem>>, vector<16xf32>,
        tpu.vector_store %arg15[%parallel_loop3A_144, %parallel_loop3A_145], %parallel_loop3A_143 {strides = array<i32>} : memref<128x128xf32, #tpu.memory_space<vmem>>, vector<16xf32>,
        %parallel_loop3A_147 = arith.index_cast %parallel_loop3A_135 : i32 to index
        %parallel_loop3A_148 = arith.constant 16 : index
        %parallel_loop3A_149 = tpu.vector_load %arg15[%parallel_loop3A_147, %parallel_loop3A_148] {strides = array<i32>} : memref<128x128xf32, #tpu.memory_space<vmem>>, vector<16xf32>,
        tpu.vector_store %arg15[%parallel_loop3A_147, %parallel_loop3A_148], %parallel_loop3A_143 {strides = array<i32>} : memref<128x128xf32, #tpu.memory_space<vmem>>, vector<16xf32>,
        %parallel_loop3A_150 = arith.index_cast %parallel_loop3A_135 : i32 to index
        %parallel_loop3A_151 = arith.constant 32 : index
        %parallel_loop3A_152 = tpu.vector_load %arg15[%parallel_loop3A_150, %parallel_loop3A_151] {strides = array<i32>} : memref<128x128xf32, #tpu.memory_space<vmem>>, vector<16xf32>,
        tpu.vector_store %arg15[%parallel_loop3A_150, %parallel_loop3A_151], %parallel_loop3A_143 {strides = array<i32>} : memref<128x128xf32, #tpu.memory_space<vmem>>, vector<16xf32>,
        %parallel_loop3A_153 = arith.index_cast %parallel_loop3A_135 : i32 to index
        %parallel_loop3A_154 = arith.constant 48 : index
        %parallel_loop3A_155 = tpu.vector_load %arg15[%parallel_loop3A_153, %parallel_loop3A_154] {strides = array<i32>} : memref<128x128xf32, #tpu.memory_space<vmem>>, vector<16xf32>,
        tpu.vector_store %arg15[%parallel_loop3A_153, %parallel_loop3A_154], %parallel_loop3A_143 {strides = array<i32>} : memref<128x128xf32, #tpu.memory_space<vmem>>, vector<16xf32>,
        %parallel_loop3A_156 = arith.index_cast %parallel_loop3A_135 : i32 to index
        %parallel_loop3A_157 = arith.constant 64 : index
        %parallel_loop3A_158 = tpu.vector_load %arg15[%parallel_loop3A_156, %parallel_loop3A_157] {strides = array<i32>} : memref<128x128xf32, #tpu.memory_space<vmem>>, vector<16xf32>,
        tpu.vector_store %arg15[%parallel_loop3A_156, %parallel_loop3A_157], %parallel_loop3A_143 {strides = array<i32>} : memref<128x128xf32, #tpu.memory_space<vmem>>, vector<16xf32>,
        %parallel_loop3A_159 = arith.index_cast %parallel_loop3A_135 : i32 to index
        %parallel_loop3A_160 = arith.constant 80 : index
        %parallel_loop3A_161 = tpu.vector_load %arg15[%parallel_loop3A_159, %parallel_loop3A_160] {strides = array<i32>} : memref<128x128xf32, #tpu.memory_space<vmem>>, vector<16xf32>,
        tpu.vector_store %arg15[%parallel_loop3A_159, %parallel_loop3A_160], %parallel_loop3A_143 {strides = array<i32>} : memref<128x128xf32, #tpu.memory_space<vmem>>, vector<16xf32>,
        %parallel_loop3A_162 = arith.index_cast %parallel_loop3A_135 : i32 to index
        %parallel_loop3A_163 = arith.constant 96 : index
        %parallel_loop3A_164 = tpu.vector_load %arg15[%parallel_loop3A_162, %parallel_loop3A_163] {strides = array<i32>} : memref<128x128xf32, #tpu.memory_space<vmem>>, vector<16xf32>,
        tpu.vector_store %arg15[%parallel_loop3A_162, %parallel_loop3A_163], %parallel_loop3A_143 {strides = array<i32>} : memref<128x128xf32, #tpu.memory_space<vmem>>, vector<16xf32>,
        %parallel_loop3A_165 = arith.index_cast %parallel_loop3A_135 : i32 to index
        %parallel_loop3A_166 = arith.constant 112 : index
        %parallel_loop3A_167 = tpu.vector_load %arg15[%parallel_loop3A_165, %parallel_loop3A_166] {strides = array<i32>} : memref<128x128xf32, #tpu.memory_space<vmem>>, vector<16xf32>,
        tpu.vector_store %arg15[%parallel_loop3A_165, %parallel_loop3A_166], %parallel_loop3A_143 {strides = array<i32>} : memref<128x128xf32, #tpu.memory_space<vmem>>, vector<16xf32>,
      } {sc.loop_unroll_factor = 4 : i64, sc.parallel_access}
      %dma_wait3A_56 = arith.constant 0 : i32
      %dma_wait3A_57 = tpu.memref_slice %arg8[%add3A_45, %dma_wait3A_56] : memref<50x128xi32, #tpu.memory_space<vmem>> -> memref<1x128xi32, #tpu.memory_space<vmem>>
      %dma_wait3A_58 = tpu.memref_squeeze %dma_wait3A_57 : memref<1x128xi32, #tpu.memory_space<vmem>> -> memref<128xi32, #tpu.memory_space<vmem>>
      %dma_wait3A_59 = arith.constant 0 : i32
      %dma_wait3A_60 = arith.constant 0 : i32
      %dma_wait3A_61 = tpu.memref_slice %arg2[%dma_wait3A_59, %dma_wait3A_60] : memref<100000x128xf32, #tpu.memory_space<hbm>> -> memref<100000x128xf32, #tpu.memory_space<hbm>>
      tpu.wait_indirect_dma semaphore(%arg17 : memref<!tpu.dma_semaphore, #tpu.memory_space<semaphore_mem>>) src(%dma_wait3A_61 : memref<100000x128xf32, #tpu.memory_space<hbm>>) dst(%arg11 : memref<128x128xf32, #tpu.memory_space<vmem>>)
      %dma_wait3A_62 = arith.constant 0 : i32
      %dma_wait3A_63 = tpu.memref_slice %arg9[%add3A_45, %dma_wait3A_62] : memref<50x128xi32, #tpu.memory_space<vmem>> -> memref<1x128xi32, #tpu.memory_space<vmem>>
      %dma_wait3A_64 = tpu.memref_squeeze %dma_wait3A_63 : memref<1x128xi32, #tpu.memory_space<vmem>> -> memref<128xi32, #tpu.memory_space<vmem>>
      %dma_wait3A_65 = arith.constant 0 : i32
      %dma_wait3A_66 = arith.constant 0 : i32
      %dma_wait3A_67 = tpu.memref_slice %arg3[%dma_wait3A_65, %dma_wait3A_66] : memref<1000x128xf32, #tpu.memory_space<hbm>> -> memref<1000x128xf32, #tpu.memory_space<hbm>>
      tpu.wait_indirect_dma semaphore(%arg17 : memref<!tpu.dma_semaphore, #tpu.memory_space<semaphore_mem>>) src(%dma_wait3A_67 : memref<1000x128xf32, #tpu.memory_space<hbm>>) dst(%arg13 : memref<128x128xf32, #tpu.memory_space<vmem>>)
      %dma_start3A_68 = arith.constant 0 : i32
      %dma_start3A_69 = tpu.memref_slice %arg7[%add3A_45, %mul3A_2, %dma_start3A_68] : memref<50x4096x384xf32, #tpu.memory_space<hbm>> -> memref<1x128x128xf32, #tpu.memory_space<hbm>>
      %dma_start3A_70 = tpu.memref_squeeze %dma_start3A_69 : memref<1x128x128xf32, #tpu.memory_space<hbm>> -> memref<128x128xf32, #tpu.memory_space<hbm>>
      %dma_start3A_71 = arith.constant 0 : i32
      %dma_start3A_72 = tpu.memref_slice %arg7[%add3A_45, %mul3A_2, %dma_start3A_71] : memref<50x4096x384xf32, #tpu.memory_space<hbm>> -> memref<1x128x128xf32, #tpu.memory_space<hbm>>
      %dma_start3A_73 = tpu.memref_squeeze %dma_start3A_72 : memref<1x128x128xf32, #tpu.memory_space<hbm>> -> memref<128x128xf32, #tpu.memory_space<hbm>>
      tpu.enqueue_dma source(%arg11 : memref<128x128xf32, #tpu.memory_space<vmem>>) target(%dma_start3A_73 : memref<128x128xf32, #tpu.memory_space<hbm>>) target_semaphore(%arg19 : memref<!tpu.dma_semaphore, #tpu.memory_space<semaphore_mem>>)
      %dma_start3A_74 = arith.constant 128 : i32
      %dma_start3A_75 = tpu.memref_slice %arg7[%add3A_45, %mul3A_2, %dma_start3A_74] : memref<50x4096x384xf32, #tpu.memory_space<hbm>> -> memref<1x128x128xf32, #tpu.memory_space<hbm>>
      %dma_start3A_76 = tpu.memref_squeeze %dma_start3A_75 : memref<1x128x128xf32, #tpu.memory_space<hbm>> -> memref<128x128xf32, #tpu.memory_space<hbm>>
      %dma_start3A_77 = arith.constant 128 : i32
      %dma_start3A_78 = tpu.memref_slice %arg7[%add3A_45, %mul3A_2, %dma_start3A_77] : memref<50x4096x384xf32, #tpu.memory_space<hbm>> -> memref<1x128x128xf32, #tpu.memory_space<hbm>>
      %dma_start3A_79 = tpu.memref_squeeze %dma_start3A_78 : memref<1x128x128xf32, #tpu.memory_space<hbm>> -> memref<128x128xf32, #tpu.memory_space<hbm>>
      tpu.enqueue_dma source(%arg13 : memref<128x128xf32, #tpu.memory_space<vmem>>) target(%dma_start3A_79 : memref<128x128xf32, #tpu.memory_space<hbm>>) target_semaphore(%arg19 : memref<!tpu.dma_semaphore, #tpu.memory_space<semaphore_mem>>)
      %dma_start3A_80 = arith.constant 256 : i32
      %dma_start3A_81 = tpu.memref_slice %arg7[%add3A_45, %mul3A_2, %dma_start3A_80] : memref<50x4096x384xf32, #tpu.memory_space<hbm>> -> memref<1x128x128xf32, #tpu.memory_space<hbm>>
      %dma_start3A_82 = tpu.memref_squeeze %dma_start3A_81 : memref<1x128x128xf32, #tpu.memory_space<hbm>> -> memref<128x128xf32, #tpu.memory_space<hbm>>
      %dma_start3A_83 = arith.constant 256 : i32
      %dma_start3A_84 = tpu.memref_slice %arg7[%add3A_45, %mul3A_2, %dma_start3A_83] : memref<50x4096x384xf32, #tpu.memory_space<hbm>> -> memref<1x128x128xf32, #tpu.memory_space<hbm>>
      %dma_start3A_85 = tpu.memref_squeeze %dma_start3A_84 : memref<1x128x128xf32, #tpu.memory_space<hbm>> -> memref<128x128xf32, #tpu.memory_space<hbm>>
      tpu.enqueue_dma source(%arg15 : memref<128x128xf32, #tpu.memory_space<vmem>>) target(%dma_start3A_85 : memref<128x128xf32, #tpu.memory_space<hbm>>) target_semaphore(%arg19 : memref<!tpu.dma_semaphore, #tpu.memory_space<semaphore_mem>>)
      %mul3A_86 = arith.constant 2 : i32
      %mul3A_87 = arith.muli %scan3A_41, %mul3A_86 : i32
      %add3A_88 = arith.constant 1 : i32
      %add3A_89 = arith.addi %mul3A_87, %add3A_88 : i32
      %ge3A_90 = arith.constant 1 : i32
      %ge3A_91 = arith.cmpi sge, %add3A_89, %ge3A_90 : i32
      %convert_element_type3A_92 = arith.extui %ge3A_91 : i1 to i32
      %cond3A_93 = arith.constant 0 : i32
      %cond3A_94 = arith.cmpi ne, %convert_element_type3A_92, %cond3A_93 : i32
      scf.if %cond3A_94 {
        %dma_wait3A_135 = arith.constant 0 : i32
        %dma_wait3A_136 = tpu.memref_slice %arg7[%add3A_89, %mul3A_2, %dma_wait3A_135] : memref<50x4096x384xf32, #tpu.memory_space<hbm>> -> memref<1x128x128xf32, #tpu.memory_space<hbm>>
        %dma_wait3A_137 = tpu.memref_squeeze %dma_wait3A_136 : memref<1x128x128xf32, #tpu.memory_space<hbm>> -> memref<128x128xf32, #tpu.memory_space<hbm>>
        %dma_wait3A_138 = arith.constant 0 : i32
        %dma_wait3A_139 = tpu.memref_slice %arg7[%add3A_89, %mul3A_2, %dma_wait3A_138] : memref<50x4096x384xf32, #tpu.memory_space<hbm>> -> memref<1x128x128xf32, #tpu.memory_space<hbm>>
        %dma_wait3A_140 = tpu.memref_squeeze %dma_wait3A_139 : memref<1x128x128xf32, #tpu.memory_space<hbm>> -> memref<128x128xf32, #tpu.memory_space<hbm>>
        tpu.wait_dma2 semaphore(%arg19 : memref<!tpu.dma_semaphore, #tpu.memory_space<semaphore_mem>>) src(%arg11 : memref<128x128xf32, #tpu.memory_space<vmem>>) dst(%dma_wait3A_140 : memref<128x128xf32, #tpu.memory_space<hbm>>)
        %dma_wait3A_141 = arith.constant 128 : i32
        %dma_wait3A_142 = tpu.memref_slice %arg7[%add3A_89, %mul3A_2, %dma_wait3A_141] : memref<50x4096x384xf32, #tpu.memory_space<hbm>> -> memref<1x128x128xf32, #tpu.memory_space<hbm>>
        %dma_wait3A_143 = tpu.memref_squeeze %dma_wait3A_142 : memref<1x128x128xf32, #tpu.memory_space<hbm>> -> memref<128x128xf32, #tpu.memory_space<hbm>>
        %dma_wait3A_144 = arith.constant 128 : i32
        %dma_wait3A_145 = tpu.memref_slice %arg7[%add3A_89, %mul3A_2, %dma_wait3A_144] : memref<50x4096x384xf32, #tpu.memory_space<hbm>> -> memref<1x128x128xf32, #tpu.memory_space<hbm>>
        %dma_wait3A_146 = tpu.memref_squeeze %dma_wait3A_145 : memref<1x128x128xf32, #tpu.memory_space<hbm>> -> memref<128x128xf32, #tpu.memory_space<hbm>>
        tpu.wait_dma2 semaphore(%arg19 : memref<!tpu.dma_semaphore, #tpu.memory_space<semaphore_mem>>) src(%arg13 : memref<128x128xf32, #tpu.memory_space<vmem>>) dst(%dma_wait3A_146 : memref<128x128xf32, #tpu.memory_space<hbm>>)
        %dma_wait3A_147 = arith.constant 256 : i32
        %dma_wait3A_148 = tpu.memref_slice %arg7[%add3A_89, %mul3A_2, %dma_wait3A_147] : memref<50x4096x384xf32, #tpu.memory_space<hbm>> -> memref<1x128x128xf32, #tpu.memory_space<hbm>>
        %dma_wait3A_149 = tpu.memref_squeeze %dma_wait3A_148 : memref<1x128x128xf32, #tpu.memory_space<hbm>> -> memref<128x128xf32, #tpu.memory_space<hbm>>
        %dma_wait3A_150 = arith.constant 256 : i32
        %dma_wait3A_151 = tpu.memref_slice %arg7[%add3A_89, %mul3A_2, %dma_wait3A_150] : memref<50x4096x384xf32, #tpu.memory_space<hbm>> -> memref<1x128x128xf32, #tpu.memory_space<hbm>>
        %dma_wait3A_152 = tpu.memref_squeeze %dma_wait3A_151 : memref<1x128x128xf32, #tpu.memory_space<hbm>> -> memref<128x128xf32, #tpu.memory_space<hbm>>
        tpu.wait_dma2 semaphore(%arg19 : memref<!tpu.dma_semaphore, #tpu.memory_space<semaphore_mem>>) src(%arg15 : memref<128x128xf32, #tpu.memory_space<vmem>>) dst(%dma_wait3A_152 : memref<128x128xf32, #tpu.memory_space<hbm>>)
      } else {
      }
      %add3A_95 = arith.constant 1 : i32
      %add3A_96 = arith.addi %add3A_89, %add3A_95 : i32
      %lt3A_97 = arith.constant 50 : i32
      %lt3A_98 = arith.cmpi slt, %add3A_96, %lt3A_97 : i32
      %convert_element_type3A_99 = arith.extui %lt3A_98 : i1 to i32
      %cond3A_100 = arith.constant 0 : i32
      %cond3A_101 = arith.cmpi ne, %convert_element_type3A_99, %cond3A_100 : i32
      scf.if %cond3A_101 {
        %add3A_135 = arith.constant 1 : i32
        %add3A_136 = arith.addi %add3A_89, %add3A_135 : i32
        %dma_start3A_137 = arith.constant 0 : i32
        %dma_start3A_138 = tpu.memref_slice %arg8[%add3A_136, %dma_start3A_137] : memref<50x128xi32, #tpu.memory_space<vmem>> -> memref<1x128xi32, #tpu.memory_space<vmem>>
        %dma_start3A_139 = tpu.memref_squeeze %dma_start3A_138 : memref<1x128xi32, #tpu.memory_space<vmem>> -> memref<128xi32, #tpu.memory_space<vmem>>
        %dma_start3A_140 = arith.constant 0 : i32
        %dma_start3A_141 = arith.constant 0 : i32
        %dma_start3A_142 = tpu.memref_slice %arg2[%dma_start3A_140, %dma_start3A_141] : memref<100000x128xf32, #tpu.memory_space<hbm>> -> memref<100000x128xf32, #tpu.memory_space<hbm>>
        tpu.enqueue_indirect_dma source(%dma_start3A_142 : memref<100000x128xf32, #tpu.memory_space<hbm>>) target(%arg11 : memref<128x128xf32, #tpu.memory_space<vmem>>) offsets(%dma_start3A_139 : memref<128xi32, #tpu.memory_space<vmem>>) semaphore(%arg17 : memref<!tpu.dma_semaphore, #tpu.memory_space<semaphore_mem>>)
        %dma_start3A_143 = arith.constant 0 : i32
        %dma_start3A_144 = tpu.memref_slice %arg9[%add3A_136, %dma_start3A_143] : memref<50x128xi32, #tpu.memory_space<vmem>> -> memref<1x128xi32, #tpu.memory_space<vmem>>
        %dma_start3A_145 = tpu.memref_squeeze %dma_start3A_144 : memref<1x128xi32, #tpu.memory_space<vmem>> -> memref<128xi32, #tpu.memory_space<vmem>>
        %dma_start3A_146 = arith.constant 0 : i32
        %dma_start3A_147 = arith.constant 0 : i32
        %dma_start3A_148 = tpu.memref_slice %arg3[%dma_start3A_146, %dma_start3A_147] : memref<1000x128xf32, #tpu.memory_space<hbm>> -> memref<1000x128xf32, #tpu.memory_space<hbm>>
        tpu.enqueue_indirect_dma source(%dma_start3A_148 : memref<1000x128xf32, #tpu.memory_space<hbm>>) target(%arg13 : memref<128x128xf32, #tpu.memory_space<vmem>>) offsets(%dma_start3A_145 : memref<128xi32, #tpu.memory_space<vmem>>) semaphore(%arg17 : memref<!tpu.dma_semaphore, #tpu.memory_space<semaphore_mem>>)
      } else {
      }
      %parallel_loop3A_102 = arith.constant 0 : i32
      %parallel_loop3A_103 = arith.constant 128 : i32
      %parallel_loop3A_104 = arith.constant 1 : i32
      scf.for %parallel_loop3A_135 = %parallel_loop3A_102 to %parallel_loop3A_103 step %parallel_loop3A_104  : i32 {
        %parallel_loop3A_136 = arith.constant 0 : i32
        %parallel_loop3A_137 = vector.broadcast %parallel_loop3A_136 : i32 to vector<16xi32>
        %parallel_loop3A_138 = arith.constant 128 : i32
        %parallel_loop3A_139 = arith.muli %add3A_89, %parallel_loop3A_138 : i32
        %parallel_loop3A_140 = arith.addi %parallel_loop3A_139, %parallel_loop3A_135 : i32
        %parallel_loop3A_141 = vector.broadcast %parallel_loop3A_140 : i32 to vector<16xi32>
        %parallel_loop3A_142 = arith.addi %parallel_loop3A_137, %parallel_loop3A_141 : vector<16xi32>
        %parallel_loop3A_143 = tpu.vector_load_idx %arg10[%parallel_loop3A_142] : memref<6400xf32, #tpu.memory_space<vmem>>[vector<16xi32>], vector<16xf32>,
        %parallel_loop3A_144 = arith.index_cast %parallel_loop3A_135 : i32 to index
        %parallel_loop3A_145 = arith.constant 0 : index
        %parallel_loop3A_146 = tpu.vector_load %arg16[%parallel_loop3A_144, %parallel_loop3A_145] {strides = array<i32>} : memref<128x128xf32, #tpu.memory_space<vmem>>, vector<16xf32>,
        tpu.vector_store %arg16[%parallel_loop3A_144, %parallel_loop3A_145], %parallel_loop3A_143 {strides = array<i32>} : memref<128x128xf32, #tpu.memory_space<vmem>>, vector<16xf32>,
        %parallel_loop3A_147 = arith.index_cast %parallel_loop3A_135 : i32 to index
        %parallel_loop3A_148 = arith.constant 16 : index
        %parallel_loop3A_149 = tpu.vector_load %arg16[%parallel_loop3A_147, %parallel_loop3A_148] {strides = array<i32>} : memref<128x128xf32, #tpu.memory_space<vmem>>, vector<16xf32>,
        tpu.vector_store %arg16[%parallel_loop3A_147, %parallel_loop3A_148], %parallel_loop3A_143 {strides = array<i32>} : memref<128x128xf32, #tpu.memory_space<vmem>>, vector<16xf32>,
        %parallel_loop3A_150 = arith.index_cast %parallel_loop3A_135 : i32 to index
        %parallel_loop3A_151 = arith.constant 32 : index
        %parallel_loop3A_152 = tpu.vector_load %arg16[%parallel_loop3A_150, %parallel_loop3A_151] {strides = array<i32>} : memref<128x128xf32, #tpu.memory_space<vmem>>, vector<16xf32>,
        tpu.vector_store %arg16[%parallel_loop3A_150, %parallel_loop3A_151], %parallel_loop3A_143 {strides = array<i32>} : memref<128x128xf32, #tpu.memory_space<vmem>>, vector<16xf32>,
        %parallel_loop3A_153 = arith.index_cast %parallel_loop3A_135 : i32 to index
        %parallel_loop3A_154 = arith.constant 48 : index
        %parallel_loop3A_155 = tpu.vector_load %arg16[%parallel_loop3A_153, %parallel_loop3A_154] {strides = array<i32>} : memref<128x128xf32, #tpu.memory_space<vmem>>, vector<16xf32>,
        tpu.vector_store %arg16[%parallel_loop3A_153, %parallel_loop3A_154], %parallel_loop3A_143 {strides = array<i32>} : memref<128x128xf32, #tpu.memory_space<vmem>>, vector<16xf32>,
        %parallel_loop3A_156 = arith.index_cast %parallel_loop3A_135 : i32 to index
        %parallel_loop3A_157 = arith.constant 64 : index
        %parallel_loop3A_158 = tpu.vector_load %arg16[%parallel_loop3A_156, %parallel_loop3A_157] {strides = array<i32>} : memref<128x128xf32, #tpu.memory_space<vmem>>, vector<16xf32>,
        tpu.vector_store %arg16[%parallel_loop3A_156, %parallel_loop3A_157], %parallel_loop3A_143 {strides = array<i32>} : memref<128x128xf32, #tpu.memory_space<vmem>>, vector<16xf32>,
        %parallel_loop3A_159 = arith.index_cast %parallel_loop3A_135 : i32 to index
        %parallel_loop3A_160 = arith.constant 80 : index
        %parallel_loop3A_161 = tpu.vector_load %arg16[%parallel_loop3A_159, %parallel_loop3A_160] {strides = array<i32>} : memref<128x128xf32, #tpu.memory_space<vmem>>, vector<16xf32>,
        tpu.vector_store %arg16[%parallel_loop3A_159, %parallel_loop3A_160], %parallel_loop3A_143 {strides = array<i32>} : memref<128x128xf32, #tpu.memory_space<vmem>>, vector<16xf32>,
        %parallel_loop3A_162 = arith.index_cast %parallel_loop3A_135 : i32 to index
        %parallel_loop3A_163 = arith.constant 96 : index
        %parallel_loop3A_164 = tpu.vector_load %arg16[%parallel_loop3A_162, %parallel_loop3A_163] {strides = array<i32>} : memref<128x128xf32, #tpu.memory_space<vmem>>, vector<16xf32>,
        tpu.vector_store %arg16[%parallel_loop3A_162, %parallel_loop3A_163], %parallel_loop3A_143 {strides = array<i32>} : memref<128x128xf32, #tpu.memory_space<vmem>>, vector<16xf32>,
        %parallel_loop3A_165 = arith.index_cast %parallel_loop3A_135 : i32 to index
        %parallel_loop3A_166 = arith.constant 112 : index
        %parallel_loop3A_167 = tpu.vector_load %arg16[%parallel_loop3A_165, %parallel_loop3A_166] {strides = array<i32>} : memref<128x128xf32, #tpu.memory_space<vmem>>, vector<16xf32>,
        tpu.vector_store %arg16[%parallel_loop3A_165, %parallel_loop3A_166], %parallel_loop3A_143 {strides = array<i32>} : memref<128x128xf32, #tpu.memory_space<vmem>>, vector<16xf32>,
      } {sc.loop_unroll_factor = 4 : i64, sc.parallel_access}
      %dma_wait3A_105 = arith.constant 0 : i32
      %dma_wait3A_106 = tpu.memref_slice %arg8[%add3A_89, %dma_wait3A_105] : memref<50x128xi32, #tpu.memory_space<vmem>> -> memref<1x128xi32, #tpu.memory_space<vmem>>
      %dma_wait3A_107 = tpu.memref_squeeze %dma_wait3A_106 : memref<1x128xi32, #tpu.memory_space<vmem>> -> memref<128xi32, #tpu.memory_space<vmem>>
      %dma_wait3A_108 = arith.constant 0 : i32
      %dma_wait3A_109 = arith.constant 0 : i32
      %dma_wait3A_110 = tpu.memref_slice %arg2[%dma_wait3A_108, %dma_wait3A_109] : memref<100000x128xf32, #tpu.memory_space<hbm>> -> memref<100000x128xf32, #tpu.memory_space<hbm>>
      tpu.wait_indirect_dma semaphore(%arg18 : memref<!tpu.dma_semaphore, #tpu.memory_space<semaphore_mem>>) src(%dma_wait3A_110 : memref<100000x128xf32, #tpu.memory_space<hbm>>) dst(%arg12 : memref<128x128xf32, #tpu.memory_space<vmem>>)
      %dma_wait3A_111 = arith.constant 0 : i32
      %dma_wait3A_112 = tpu.memref_slice %arg9[%add3A_89, %dma_wait3A_111] : memref<50x128xi32, #tpu.memory_space<vmem>> -> memref<1x128xi32, #tpu.memory_space<vmem>>
      %dma_wait3A_113 = tpu.memref_squeeze %dma_wait3A_112 : memref<1x128xi32, #tpu.memory_space<vmem>> -> memref<128xi32, #tpu.memory_space<vmem>>
      %dma_wait3A_114 = arith.constant 0 : i32
      %dma_wait3A_115 = arith.constant 0 : i32
      %dma_wait3A_116 = tpu.memref_slice %arg3[%dma_wait3A_114, %dma_wait3A_115] : memref<1000x128xf32, #tpu.memory_space<hbm>> -> memref<1000x128xf32, #tpu.memory_space<hbm>>
      tpu.wait_indirect_dma semaphore(%arg18 : memref<!tpu.dma_semaphore, #tpu.memory_space<semaphore_mem>>) src(%dma_wait3A_116 : memref<1000x128xf32, #tpu.memory_space<hbm>>) dst(%arg14 : memref<128x128xf32, #tpu.memory_space<vmem>>)
      %dma_start3A_117 = arith.constant 0 : i32
      %dma_start3A_118 = tpu.memref_slice %arg7[%add3A_89, %mul3A_2, %dma_start3A_117] : memref<50x4096x384xf32, #tpu.memory_space<hbm>> -> memref<1x128x128xf32, #tpu.memory_space<hbm>>
      %dma_start3A_119 = tpu.memref_squeeze %dma_start3A_118 : memref<1x128x128xf32, #tpu.memory_space<hbm>> -> memref<128x128xf32, #tpu.memory_space<hbm>>
      %dma_start3A_120 = arith.constant 0 : i32
      %dma_start3A_121 = tpu.memref_slice %arg7[%add3A_89, %mul3A_2, %dma_start3A_120] : memref<50x4096x384xf32, #tpu.memory_space<hbm>> -> memref<1x128x128xf32, #tpu.memory_space<hbm>>
      %dma_start3A_122 = tpu.memref_squeeze %dma_start3A_121 : memref<1x128x128xf32, #tpu.memory_space<hbm>> -> memref<128x128xf32, #tpu.memory_space<hbm>>
      tpu.enqueue_dma source(%arg12 : memref<128x128xf32, #tpu.memory_space<vmem>>) target(%dma_start3A_122 : memref<128x128xf32, #tpu.memory_space<hbm>>) target_semaphore(%arg20 : memref<!tpu.dma_semaphore, #tpu.memory_space<semaphore_mem>>)
      %dma_start3A_123 = arith.constant 128 : i32
      %dma_start3A_124 = tpu.memref_slice %arg7[%add3A_89, %mul3A_2, %dma_start3A_123] : memref<50x4096x384xf32, #tpu.memory_space<hbm>> -> memref<1x128x128xf32, #tpu.memory_space<hbm>>
      %dma_start3A_125 = tpu.memref_squeeze %dma_start3A_124 : memref<1x128x128xf32, #tpu.memory_space<hbm>> -> memref<128x128xf32, #tpu.memory_space<hbm>>
      %dma_start3A_126 = arith.constant 128 : i32
      %dma_start3A_127 = tpu.memref_slice %arg7[%add3A_89, %mul3A_2, %dma_start3A_126] : memref<50x4096x384xf32, #tpu.memory_space<hbm>> -> memref<1x128x128xf32, #tpu.memory_space<hbm>>
      %dma_start3A_128 = tpu.memref_squeeze %dma_start3A_127 : memref<1x128x128xf32, #tpu.memory_space<hbm>> -> memref<128x128xf32, #tpu.memory_space<hbm>>
      tpu.enqueue_dma source(%arg14 : memref<128x128xf32, #tpu.memory_space<vmem>>) target(%dma_start3A_128 : memref<128x128xf32, #tpu.memory_space<hbm>>) target_semaphore(%arg20 : memref<!tpu.dma_semaphore, #tpu.memory_space<semaphore_mem>>)
      %dma_start3A_129 = arith.constant 256 : i32
      %dma_start3A_130 = tpu.memref_slice %arg7[%add3A_89, %mul3A_2, %dma_start3A_129] : memref<50x4096x384xf32, #tpu.memory_space<hbm>> -> memref<1x128x128xf32, #tpu.memory_space<hbm>>
      %dma_start3A_131 = tpu.memref_squeeze %dma_start3A_130 : memref<1x128x128xf32, #tpu.memory_space<hbm>> -> memref<128x128xf32, #tpu.memory_space<hbm>>
      %dma_start3A_132 = arith.constant 256 : i32
      %dma_start3A_133 = tpu.memref_slice %arg7[%add3A_89, %mul3A_2, %dma_start3A_132] : memref<50x4096x384xf32, #tpu.memory_space<hbm>> -> memref<1x128x128xf32, #tpu.memory_space<hbm>>
      %dma_start3A_134 = tpu.memref_squeeze %dma_start3A_133 : memref<1x128x128xf32, #tpu.memory_space<hbm>> -> memref<128x128xf32, #tpu.memory_space<hbm>>
      tpu.enqueue_dma source(%arg16 : memref<128x128xf32, #tpu.memory_space<vmem>>) target(%dma_start3A_134 : memref<128x128xf32, #tpu.memory_space<hbm>>) target_semaphore(%arg20 : memref<!tpu.dma_semaphore, #tpu.memory_space<semaphore_mem>>)
    }
    %scan3A_20 = arith.constant 25 : i32
    %dma_wait3A = arith.constant 0 : i32
    %dma_wait3A_21 = arith.constant 0 : i32
    %dma_wait3A_22 = tpu.memref_slice %arg7[%dma_wait3A, %mul3A_2, %dma_wait3A_21] : memref<50x4096x384xf32, #tpu.memory_space<hbm>> -> memref<1x128x128xf32, #tpu.memory_space<hbm>>
    %dma_wait3A_23 = tpu.memref_squeeze %dma_wait3A_22 : memref<1x128x128xf32, #tpu.memory_space<hbm>> -> memref<128x128xf32, #tpu.memory_space<hbm>>
    %dma_wait3A_24 = arith.constant 0 : i32
    %dma_wait3A_25 = tpu.memref_slice %arg7[%dma_wait3A, %mul3A_2, %dma_wait3A_24] : memref<50x4096x384xf32, #tpu.memory_space<hbm>> -> memref<1x128x128xf32, #tpu.memory_space<hbm>>
    %dma_wait3A_26 = tpu.memref_squeeze %dma_wait3A_25 : memref<1x128x128xf32, #tpu.memory_space<hbm>> -> memref<128x128xf32, #tpu.memory_space<hbm>>
    tpu.wait_dma2 semaphore(%arg20 : memref<!tpu.dma_semaphore, #tpu.memory_space<semaphore_mem>>) src(%arg12 : memref<128x128xf32, #tpu.memory_space<vmem>>) dst(%dma_wait3A_26 : memref<128x128xf32, #tpu.memory_space<hbm>>)
    %dma_wait3A_27 = arith.constant 0 : i32
    %dma_wait3A_28 = arith.constant 128 : i32
    %dma_wait3A_29 = tpu.memref_slice %arg7[%dma_wait3A_27, %mul3A_2, %dma_wait3A_28] : memref<50x4096x384xf32, #tpu.memory_space<hbm>> -> memref<1x128x128xf32, #tpu.memory_space<hbm>>
    %dma_wait3A_30 = tpu.memref_squeeze %dma_wait3A_29 : memref<1x128x128xf32, #tpu.memory_space<hbm>> -> memref<128x128xf32, #tpu.memory_space<hbm>>
    %dma_wait3A_31 = arith.constant 128 : i32
    %dma_wait3A_32 = tpu.memref_slice %arg7[%dma_wait3A_27, %mul3A_2, %dma_wait3A_31] : memref<50x4096x384xf32, #tpu.memory_space<hbm>> -> memref<1x128x128xf32, #tpu.memory_space<hbm>>
    %dma_wait3A_33 = tpu.memref_squeeze %dma_wait3A_32 : memref<1x128x128xf32, #tpu.memory_space<hbm>> -> memref<128x128xf32, #tpu.memory_space<hbm>>
    tpu.wait_dma2 semaphore(%arg20 : memref<!tpu.dma_semaphore, #tpu.memory_space<semaphore_mem>>) src(%arg14 : memref<128x128xf32, #tpu.memory_space<vmem>>) dst(%dma_wait3A_33 : memref<128x128xf32, #tpu.memory_space<hbm>>)
    %dma_wait3A_34 = arith.constant 0 : i32
    %dma_wait3A_35 = arith.constant 256 : i32
    %dma_wait3A_36 = tpu.memref_slice %arg7[%dma_wait3A_34, %mul3A_2, %dma_wait3A_35] : memref<50x4096x384xf32, #tpu.memory_space<hbm>> -> memref<1x128x128xf32, #tpu.memory_space<hbm>>
    %dma_wait3A_37 = tpu.memref_squeeze %dma_wait3A_36 : memref<1x128x128xf32, #tpu.memory_space<hbm>> -> memref<128x128xf32, #tpu.memory_space<hbm>>
    %dma_wait3A_38 = arith.constant 256 : i32
    %dma_wait3A_39 = tpu.memref_slice %arg7[%dma_wait3A_34, %mul3A_2, %dma_wait3A_38] : memref<50x4096x384xf32, #tpu.memory_space<hbm>> -> memref<1x128x128xf32, #tpu.memory_space<hbm>>
    %dma_wait3A_40 = tpu.memref_squeeze %dma_wait3A_39 : memref<1x128x128xf32, #tpu.memory_space<hbm>> -> memref<128x128xf32, #tpu.memory_space<hbm>>
    tpu.wait_dma2 semaphore(%arg20 : memref<!tpu.dma_semaphore, #tpu.memory_space<semaphore_mem>>) src(%arg16 : memref<128x128xf32, #tpu.memory_space<vmem>>) dst(%dma_wait3A_40 : memref<128x128xf32, #tpu.memory_space<hbm>>)
    return
  }
}

</mosaic_0001>

<sc_bundles>
// kernel: kernel.3.cloned.1.call-start
scs
__scs_entry_jumppad:
0x0: {  	(pc) =	sbr.rel $0x88, $3  }
0x1: {  	(tag) =	ssettag $0x0;
	lr =	simm.s32 $0x1  }
0x2: {  	[smem:$0x3F9C] =	sst lr;
	_ =	strace $0xD0000000  }
0x3: {  	_ = 	snop  }
0x4: {  	_ = 	snop  }
0x5: {  	_ = 	snop  }
0x6: {  	_ = 	snop  }
0x7: {  	_ = 	snop  }
__scs_overlays_trampoline_lowered:
0x8: {  	[smem:$0x3FAB] =	sst s0  }
0x9: {  	[smem:$0x3FAC] =	sst s1  }
0xa: {  	[smem:$0x3FAD] =	sst s2  }
0xb: {  	[smem:$0x3FAE] =	sst s3  }
0xc: {  	[smem:$0x3FAF] =	sst s4  }
0xd: {  	[smem:$0x3FB0] =	sst s5  }
0xe: {  	[smem:$0x3FB1] =	sst s6  }
0xf: {  	[smem:$0x3FB2] =	sst s7  }
0x10: {  	[smem:$0x3FB3] =	sst s8  }
0x11: {  	[smem:$0x3FB4] =	sst s9;
	s0 =	simm.s32 @!p0 $0x0  }
0x12: {  	s1 =	sld [smem:$0x3F9A];
	s0 =	simm.s32 @p0 $0x1  }
0x13: {  	[smem:$0x3FB5] =	sst s0;
	s0 =	simm.s32 @!p1 $0x0  }
0x14: {  	s2 =	sld [smem:$0x3F99];
	s0 =	simm.s32 @p1 $0x1  }
0x15: {  	[smem:$0x3FB6] =	sst s0;
	s0 =	simm.s32 @!p2 $0x0  }
0x16: {  	s3 =	sld [smem:$0x3FDB];
	s0 =	simm.s32 @p2 $0x1  }
0x17: {  	s4 =	simm.s32 $0x1BF5;
	[smem:$0x3FB8] =	sst s0  }
0x18: {  	s0 =	sld [smem:$0x3F9B];
	_ =	swait.ge [sflag:s4], $0x0  }
0x19: {  	s7 =	sld [smem:$0x3F9C]  }
0x1a: {  	s8 =	sadd.s32 $0xFFFFE003, lr  }
0x1b: {  	s9 =	sadd.s32 $0xFFFFFEF7, lr;
	s5 =	simm.s32 $0xFFFFFFFF;
	p2 =	slt.u32 s8, $0xFFFFF086  }
0x1c: {  	p1 =	slt.u32 s9, $0xF7A;
	s5 =	simm.s32 @!p2 $0x0  }
0x1d: {  	s5 =	simm.s32 @p1 $0x1;
	p0 =	seq.s32 s7, s2  }
0x1e: {  	s7 =	smul.u32 @!p0 $0xF7A, s2;
	p2 =	seq.s32 @!p0 s5, $0x0  }
0x1f: {  	s9 =	smul.u32 $0xF7A, s1;
	s8 =	simm.s32 @!p0 $0x1BF5;
	p2 =	por !p2, p0  }
0x20: {  	[sflag:s8] =	ssyncset.s32 @!p0 $0xFFFFF086;
	s6 =	sadd.s32 @!p0 s3, s7;
	s7 =	simm.s32 @!p0 $0x108  }
0x21: {  	s3 =	sadd.s32 s3, s9;
	s6 =	sadd.s32 @!p0 $0x88, s6;
	s7 =	simm.s32 @p2 $0x1082  }
0x22: {  	[simem:s7], [sflag:s8] =	dma.local @!p0 [hbm:s6], $0xF7A  }
0x23: {  	s9 =	sor.u32 $0xD0000000, s2;
	s6 =	simm.s32 $0x108;
	_ =	swait.ge @!p0 [sflag:s8], $0x0  }
0x24: {  	s3 =	sadd.s32 $0x88, s3;
	s6 =	simm.s32 @!p1 $0x1082;
	[sflag:s4] =	ssyncset.s32 $0xFFFFF086  }
0x25: {  	[simem:s6], [sflag:s4] =	dma.local [hbm:s3], $0xF7A  }
0x26: {  	[smem:$0x3F9C] =	sst s1;
	(tag) =	ssettag s2;
	_ =	strace s9  }
0x27: {  	s1 =	sld [smem:$0x3FAC]  }
0x28: {  	s2 =	sld [smem:$0x3FAD]  }
0x29: {  	s4 =	sld [smem:$0x3FAF]  }
0x2a: {  	p0 =	seq.s32 s5, $0x0;
	s5 =	sld [smem:$0x3FB0]  }
0x2b: {  	s6 =	sld [smem:$0x3FB1]  }
0x2c: {  	s7 =	sld [smem:$0x3FB2]  }
0x2d: {  	s3 =	simm.s32 $0x108;
	s8 =	sld [smem:$0x3FB3]  }
0x2e: {  	s3 =	simm.s32 @!p0 $0x1082;
	s9 =	sld [smem:$0x3FB4]  }
0x2f: {  	lr =	sadd.s32 s0, s3;
	s0 =	sld [smem:$0x3FAB]  }
0x30: {  	s3 =	sld [smem:$0x3FAE]  }
0x31: {  	[smem:$0x3FB7] =	sst s10  }
0x32: {  	s10 =	sld [smem:$0x3FB5];
	_ =	sdelay $0x3  }
0x33: {  	p0 =	seq.s32 s10, $0x1;
	s10 =	sld [smem:$0x3FB7];
	_ =	sdelay $0x3  }
0x34: {  	[smem:$0x3FB7] =	sst s10  }
0x35: {  	s10 =	sld [smem:$0x3FB6];
	_ =	sdelay $0x3  }
0x36: {  	p1 =	seq.s32 s10, $0x1;
	s10 =	sld [smem:$0x3FB7];
	_ =	sdelay $0x3  }
0x37: {  	[smem:$0x3FB7] =	sst s10  }
0x38: {  	s10 =	sld [smem:$0x3FB8]  }
0x39: {  	_ = 	snop;
	(pc) =	sbr.ind lr, $3  }
0x3a: {  	_ = 	snop  }
0x3b: {  	_ = 	snop  }
0x3c: {  	p2 =	seq.s32 s10, $0x1;
	s10 =	sld [smem:$0x3FB7]  }
0x3d: {  	_ =	shalt  }
0x3e: {  	_ =	shalt  }
0x3f: {  	_ =	shalt  }
0x40: {  	_ =	shalt  }
0x41: {  	_ =	shalt  }
0x42: {  	_ =	shalt  }
0x43: {  	_ =	shalt  }
0x44: {  	_ =	shalt  }
0x45: {  	_ =	shalt  }
0x46: {  	_ =	shalt  }
0x47: {  	_ =	shalt  }
0x48: {  	_ =	shalt  }
0x49: {  	_ =	shalt  }
0x4a: {  	_ =	shalt  }
0x4b: {  	_ =	shalt  }
0x4c: {  	_ =	shalt  }
0x4d: {  	_ =	shalt  }
0x4e: {  	_ =	shalt  }
0x4f: {  	_ =	shalt  }
0x50: {  	_ =	shalt  }
0x51: {  	_ =	shalt  }
0x52: {  	_ =	shalt  }
0x53: {  	_ =	shalt  }
0x54: {  	_ =	shalt  }
0x55: {  	_ =	shalt  }
0x56: {  	_ =	shalt  }
0x57: {  	_ =	shalt  }
0x58: {  	_ =	shalt  }
0x59: {  	_ =	shalt  }
0x5a: {  	_ =	shalt  }
0x5b: {  	_ =	shalt  }
0x5c: {  	_ =	shalt  }
0x5d: {  	_ =	shalt  }
0x5e: {  	_ =	shalt  }
0x5f: {  	_ =	shalt  }
0x60: {  	_ =	shalt  }
0x61: {  	_ =	shalt  }
0x62: {  	_ =	shalt  }
0x63: {  	_ =	shalt  }
0x64: {  	_ =	shalt  }
0x65: {  	_ =	shalt  }
0x66: {  	_ =	shalt  }
0x67: {  	_ =	shalt  }
0x68: {  	_ =	shalt  }
0x69: {  	_ =	shalt  }
0x6a: {  	_ =	shalt  }
0x6b: {  	_ =	shalt  }
0x6c: {  	_ =	shalt  }
0x6d: {  	_ =	shalt  }
0x6e: {  	_ =	shalt  }
0x6f: {  	_ =	shalt  }
0x70: {  	_ =	shalt  }
0x71: {  	_ =	shalt  }
0x72: {  	_ =	shalt  }
0x73: {  	_ =	shalt  }
0x74: {  	_ =	shalt  }
0x75: {  	_ =	shalt  }
0x76: {  	_ =	shalt  }
0x77: {  	_ =	shalt  }
0x78: {  	_ =	shalt  }
0x79: {  	_ =	shalt  }
0x7a: {  	_ =	shalt  }
0x7b: {  	_ =	shalt  }
0x7c: {  	_ =	shalt  }
0x7d: {  	_ =	shalt  }
0x7e: {  	_ =	shalt  }
0x7f: {  	_ =	shalt  }
0x80: {  	_ =	shalt  }
0x81: {  	_ =	shalt  }
0x82: {  	_ =	shalt  }
0x83: {  	_ =	shalt  }
0x84: {  	_ =	shalt  }
0x85: {  	_ =	shalt  }
0x86: {  	_ =	shalt  }
0x87: {  	_ =	shalt  }
.Lfunc_end0:
.L_simem_size_0:
called_computation_lowered:
.L_overlay_start_0:
0x88: {  	s2 =	sld [smem:$0x3FD9]  }
0x89: {  	s3 =	sld [smem:$0x3FFE];
	_ =	sdelay $0x1  }
0x8a: {  	s1 =	srdreg.scid  }
0x8b: {  	s0 =	sand.u32 $0x1, s1  }
0x8c: {  	s17 =	sshll.u32 s0, $0xA;
	s2 =	sadd.s32 s3, s2  }
0x8d: {  	s2 =	sadd.s32 s2, s17  }
0x8e: {  	[smem:$0x3FC3] =	sst s2  }
0x8f: {  	_ = 	snop  }
0x90: {  	s2 =	sld [smem:$0x3FD0];
	(tm) =	ssettm $0x1  }
0x91: {  	s18 =	sld [smem:$0x3FFB];
	_ =	sdelay $0x3  }
0x92: {  	_ =	strace s18  }
0x93: {  	s3 =	sld [smem:$0x3FFC];
	_ =	sdelay $0x3  }
0x94: {  	_ =	strace s3  }
0x95: {  	s3 =	sld [smem:$0x3FFD];
	_ =	sdelay $0x3  }
0x96: {  	_ =	strace s3  }
0x97: {  	_ =	strace $0x8FFFFFFF  }
0x98: {  	s19 =	sld [smem:$0x3FDB];
	_ =	sdelay $0x1  }
0x99: {  	s4 =	simm.s32 $_scs_section_size  }
0x9a: {  	s5 =	simm.s32 $_size__tile_overlayer_lowered;
	s6 =	simm.s32 $_tile_overlayer_lowered  }
0x9b: {  	s22 =	simm.s32 $0x1BFF;
	s21 =	sshll.u32 s6, $0x1;
	s3 =	sadd.s32 s4, s19  }
0x9c: {  	s7 =	simm.s32 $0x0;
	s20 =	sshll.u32 s5, $0x1;
	s5 =	sadd.s32 s21, s3  }
0x9d: {  	[timem:s7], [sflag:s22] =	dma.local [hbm:s5], s20  }
0x9e: {  	_ =	swait.ge [sflag:s22], s20  }
0x9f: {  	s4 =	ssub.s32 $0x0, s20;
	[sflag:s22] =	ssyncset.done $0x0  }
0xa0: {  	[sflag:s22] =	ssyncadd.s32 s4;
	_ =	sdelay $0x1  }
0xa1: {  	s23 =	simm.s32 $0x1B8B  }
0xa2: {  	_ =	swait.ge [sflag:s23], $0x1  }
0xa3: {  	[sflag:s23] =	ssyncset.done $0x0  }
0xa4: {  	s25 =	simm.s32 $0x1B8E;
	s24 =	sld [smem:$0x3FFE];
	[sflag:s23] =	ssyncadd.s32 $0xFFFFFFFF  }
0xa5: {  	s26 =	simm.s32 $execute0_lowered;
	[smem:$0x3FD2] =	sst s25  }
0xa6: {  	s5 =	sshll.u32 s26, $0x1;
	_ =	strace $0x80000046;
	[dreg:$0x1] =	wrdreg $0xFFFFFFFF  }
0xa7: {  	s28 =	simm.s32 $_size_execute0_lowered;
	s3 =	sadd.s32 s3, s5;
	[dreg:$0x0] =	wrdreg $0x0  }
0xa8: {  	s5 =	sshll.u32 s28, $0x1;
	[dreg:$0x2] =	wrdreg s3  }
0xa9: {  	[dreg:$0x3] =	wrdreg s5  }
0xaa: {  	[dreg:$0x4] =	wrdreg $0xC0  }
0xab: {  	_ =	task [dreg:s7], $0x5FFFF  }
0xac: {  	[dreg:$0x1] =	wrdreg $0xFFFFFFFF  }
0xad: {  	[dreg:$0x0] =	wrdreg $0x60  }
0xae: {  	[dreg:$0x2] =	wrdreg s24  }
0xaf: {  	[dreg:$0x3] =	wrdreg s2  }
0xb0: {  	[dreg:$0x4] =	wrdreg $0x9  }
0xb1: {  	_ =	task.clear_ibuf [dreg:s7], $0x5FFFF;
	_ =	strace $0x90000046  }
0xb2: {  	s29 =	simm.s32 $0x9;
	_ =	strace $0x80000048  }
0xb3: {  	_ =	swait.ge [sflag:s29], $0x1  }
0xb4: {  	[sflag:s29] =	ssyncadd.s32 $0xFFFFFFFF  }
0xb5: {  	_ =	strace $0x90000048  }
0xb6: {  	_ =	sfence  }
0xb7: {  	s30 =	sld [smem:$0x0];
	_ =	sdelay $0x2  }
0xb8: {  	s31 =	sshll.u32 s1, $0xD;
	s1 =	sshrl.u32 s1, $0x2  }
0xb9: {  	s3 =	sand.u32 $0x4000, s31;
	s1 =	sadd.s32 s1, s30  }
0xba: {  	s0 =	sor.u32 s3, s0;
	s1 =	sshll.u32 s1, $0x11  }
0xbb: {  	s0 =	sor.u32 s1, s0  }
0xbc: {  	s0 =	sadd.s32 $0x8F2B, s0  }
0xbd: {  	[sflag:s0] =	ssyncadd.remote.s32 $0x1  }
0xbe: {  	_ =	sfence.sel $0xFFFF  }
0xbf: {  	[dreg:$0x0] =	wrdreg $0xFFFFFFFF;
	(pc) =	sbr.abs _section_cstart, $3  }
0xc0: {  	[dreg:$0x1] =	wrdreg $0xFFFFFFFF  }
0xc1: {  	_ =	task.clear_ibuf [dreg:s7], $0x2FFFF;
	_ =	strace $0x9FFFFFFF  }
0xc2: {  	(tm) =	ssettm $0x7FFFFFFF  }
0xc3: {  	_ =	shalt  }
tec
execute0_lowered:
.L_overlay_start_1:
0x0: {  	(tag) =	ssettag $0x1  }
0x1: {  	s0 =	rddreg [dreg:$0x0]  }
0x2: {  	s2 =	rddreg [dreg:$0x1];
	s1 =	srdreg.scid  }
0x3: {  	s3 =	stileid.u32;
	s5 =	simm.s32 $0x0;
	s13 =	simm.s32 $0x5  }
0x4: {  	s15 =	simm.s32 $0x80;
	s16 =	simm.s32 $0x400;
	s17 =	simm.s32 $0x3800  }
0x5: {  	s18 =	simm.s32 $0x5100;
	s19 =	simm.s32 $0xD100;
	s20 =	simm.s32 $0x9100  }
0x6: {  	s21 =	simm.s32 $0x11100;
	s28 =	simm.s32 $0x19100;
	s29 =	simm.s32 $0x4  }
0x7: {  	s30 =	simm.s32 $0x0;
	s1 =	sand.u32 $0x1, s1;
	s4 =	sshll.u32 s3, $0x1  }
0x8: {  	s22 =	sshrl.u32 s3, $0x2;
	[smem:$0x7FF] =	sst s5;
	s5 =	sadd.s32 $0x600, s0  }
0x9: {  	s10 =	sadd.s32 $0x80, s2;
	s11 =	sadd.s32 $0x100, s2;
	s6 =	sor.u32 s1, s4  }
0xa: {  	s7 =	smul.u32 $0xC800, s22;
	_ =	strace $0x80000047;
	s4 =	sadd.s32 $0xAA00, s0  }
0xb: {  	s1 =	ssub.s32 $0x2, s1;
	s22 =	simm.s32 $0x1;
	s23 =	sshll.u32 s6, $0x7  }
0xc: {  	s8 =	smul.u32 $0x380, s6;
	s24 =	sshrl.u32 s1, $0x1;
	s9 =	sand.u32 $0x380, s23  }
0xd: {  	s1 =	ssub.s32 s1, s24;
	s23 =	simm.s32 $0xC00;
	s24 =	simm.s32 $0x15100  }
0xe: {  	s7 =	sor.u32 s7, s9;
	s8 =	sadd.s32 s8, s0;
	s31 =	smax.u32 s1, $0x1  }
0xf: {  	s7 =	sshrl.u32 s7, $0x3;
	s25 =	sadd.s32 $0x198400, s8;
	[dreg:$0x6] =	wrdreg s31  }
0x10: {  	s26 =	sadd.s32 $0x191400, s8;
	s0 =	sadd.s32 s7, s0;
	[dreg:$0x3] =	wrdreg s25  }
0x11: {  	s9 =	smul.u32 $0xC000, s6;
	[dreg:$0x4] =	wrdreg s26;
	s0 =	sadd.s32 $0x4600, s0  }
0x12: {  	s25 =	simm.s32 $0x3;
	s26 =	simm.s32 $0x2;
	[dreg:$0x5] =	wrdreg s0  }
.LBB2_1:
0x13: {  	s0 =	simm.s32 $0x0;
	s1 =	rddreg [dreg:$0x3]  }
0x14: {  	[tilespmem:s0], [sflag:$0x5] =	stream.linear.gather [hbm4b:s1+s0], $0x1900, $0x38;
	[tilespmem:$0x1D100] =	vst v63  }
0x15: {  	_ =	swait.ge [sflag:s13], $0x1900  }
0x16: {  	[sflag:s13] =	ssyncset.done $0x0  }
0x17: {  	s3 =	simm.s32 $0x1C00;
	s12 =	rddreg [dreg:$0x4];
	[sflag:s13] =	ssyncadd.s32 $0xFFFFE700  }
0x18: {  	[tilespmem:s3], [sflag:$0x5] =	stream.linear.gather [hbm4b:s12+s0], $0x1900, $0x38;
	[tilespmem:$0x1D100] =	vst v63  }
0x19: {  	_ =	swait.ge [sflag:s13], $0x1900  }
0x1a: {  	[sflag:s13] =	ssyncset.done $0x0  }
0x1b: {  	s14 =	rddreg [dreg:$0x5];
	[sflag:s13] =	ssyncadd.s32 $0xFFFFE700  }
0x1c: {  	[tilespmem:s17], [sflag:$0x5] =	stream.strided.gather [hbm4b:s14+s15], $0x1900, s16, s15, $0x38;
	[tilespmem:$0x1D100] =	vst v63  }
0x1d: {  	_ =	swait.ge [sflag:s13], $0x1900  }
0x1e: {  	[sflag:s13] =	ssyncset.done $0x0  }
0x1f: {  	[sflag:s13] =	ssyncadd.s32 $0xFFFFE700  }
0x20: {  	[tilespmem:s18], [sflag:$0x1] =	stream.indirect.gather [hbm4b:s4+s15], $0x80, s0, s15, $0xb8;
	[tilespmem:$0x1D100] =	vst v63  }
0x21: {  	s31 =	simm.s32 $0x0;
	s0 =	simm.s32 $0x0  }
0x22: {  	[tilespmem:s19], [sflag:$0x1] =	stream.indirect.gather [hbm4b:s5+s15], $0x80, s3, s15, $0xb8;
	[tilespmem:$0x1D100] =	vst v63  }
.LBB2_2:
0x23: {  	p0 =	seq.s32 s0, $0x0  }
0x24: {  	s6 =	simm.s32 @!p0 $0x4  }
0x25: {  	_ =	swait.ge @!p0 [sflag:s6], $0x4000  }
0x26: {  	[sflag:s6] =	ssyncset.done @!p0 $0x0  }
0x27: {  	s14 =	sadd.s32 $0xFFFFFFFC, s31;
	[sflag:s6] =	ssyncadd.s32 @!p0 $0xFFFFC000  }
0x28: {  	s1 =	sadd.s32 $0x6, s14;
	_ =	swait.ge @!p0 [sflag:s6], $0x4000  }
0x29: {  	s7 =	sadd.s32 $0x4, s14;
	v0 =	vmov s1;
	[sflag:s6] =	ssyncset.done @!p0 $0x0  }
0x2a: {  	v1 =	vmov s7;
	v0 =	vand.u32 $0xFFFFFFFE, v0;
	[sflag:s6] =	ssyncadd.s32 @!p0 $0xFFFFC000  }
0x2b: {  	s7 =	sshll.u32 s0, $0x1;
	v1 =	vand.u32 $0xFFFFFFFC, v1;
	v0 =	vbroadcast v0, $0x0;
	_ =	swait.ge @!p0 [sflag:s6], $0x4000  }
0x2c: {  	s1 =	sor.u32 $0x1, s7;
	v1 =	vbroadcast v1, $0x0;
	[sflag:s6] =	ssyncset.done @!p0 $0x0  }
0x2d: {  	s8 =	sshll.u32 s1, $0x7;
	[sflag:s6] =	ssyncadd.s32 @!p0 $0xFFFFC000  }
0x2e: {  	[tilespmem:s20], [sflag:$0x2] =	stream.indirect.gather [hbm4b:s4+s15], $0x80, s8, s15, $0xb8;
	[tilespmem:$0x1D100] =	vst v63  }
0x2f: {  	s6 =	sadd.s32 $0x1C00, s8  }
0x30: {  	[tilespmem:s21], [sflag:$0x2] =	stream.indirect.gather [hbm4b:s5+s15], $0x80, s6, s15, $0xb8;
	[tilespmem:$0x1D100] =	vst v63  }
0x31: {  	s12 =	sadd.s32 $0x5, s14;
	v0 =	vld.idx.msk [tilespmem:v0+s17+$0x0], $0xffff  }
0x32: {  	v2 =	vmov s12;
	v1 =	vld.idx.msk [tilespmem:v1+s17+$0x0], $0xffff  }
0x33: {  	v2 =	vand.u32 $0xFFFFFFFD, v2  }
0x34: {  	v2 =	vbroadcast v2, $0x0  }
0x35: {  	s7 =	simm.s32 $0x15200  }
0x36: {  	[tilespmem:s7+$0x70] =	vst v0  }
0x37: {  	[tilespmem:s7+$0xFFFFFF00] =	vst v1  }
0x38: {  	[tilespmem:s7+$0xFFFFFF10] =	vst v1  }
0x39: {  	[tilespmem:s7+$0xFFFFFF20] =	vst v1  }
0x3a: {  	v2 =	vld.idx.msk [tilespmem:v2+s17+$0x0], $0xffff;
	[tilespmem:s7+$0xFFFFFF30] =	vst v1  }
0x3b: {  	[tilespmem:s7+$0xFFFFFF40] =	vst v1  }
0x3c: {  	[tilespmem:s7+$0xFFFFFF50] =	vst v1  }
0x3d: {  	[tilespmem:s7+$0xFFFFFF60] =	vst v1  }
0x3e: {  	[tilespmem:s7+$0xFFFFFF70] =	vst v1  }
0x3f: {  	s14 =	sadd.s32 $0x7, s14;
	[tilespmem:s7+$0xFFFFFF80] =	vst v2  }
0x40: {  	v1 =	vmov s14;
	[tilespmem:s7+$0xFFFFFF90] =	vst v2  }
0x41: {  	[tilespmem:s7+$0xFFFFFFA0] =	vst v2  }
0x42: {  	[tilespmem:s7+$0xFFFFFFB0] =	vst v2  }
0x43: {  	[tilespmem:s7+$0xFFFFFFC0] =	vst v2  }
0x44: {  	[tilespmem:s7+$0xFFFFFFD0] =	vst v2  }
0x45: {  	s6 =	sshll.u32 s0, $0x8;
	s14 =	simm.s32 $0x0;
	[tilespmem:s7+$0xFFFFFFE0] =	vst v2;
	v1 =	vld.idx.msk [tilespmem:v1+s17+$0x0], $0xffff  }
.LBB2_3:
0x46: {  	s8 =	sadd.s32 s14, s31;
	s14 =	sadd.s32 $0x4, s14;
	[tilespmem:s7+$0xFFFFFFF0] =	vst v2  }
0x47: {  	s12 =	sadd.s32 $0x4, s8;
	s3 =	sadd.s32 $0x6, s8;
	p0 =	slt.u32 s14, $0x7C;
	[tilespmem:s7+$0x0] =	vst v0  }
0x48: {  	v2 =	vmov s12;
	s12 =	sadd.s32 $0x5, s8;
	v3 =	vmov s3;
	s3 =	sadd.s32 $0x7, s8;
	[tilespmem:s7+$0x10] =	vst v0  }
0x49: {  	v2 =	vand.u32 $0xFFFFFFFC, v2;
	v4 =	vmov s12;
	v3 =	vand.u32 $0xFFFFFFFE, v3;
	[tilespmem:s7+$0x20] =	vst v0  }
0x4a: {  	v2 =	vbroadcast v2, $0x0;
	v4 =	vand.u32 $0xFFFFFFFD, v4;
	v3 =	vbroadcast v3, $0x0;
	[tilespmem:s7+$0x30] =	vst v0  }
0x4b: {  	v5 =	vmov s3;
	v4 =	vbroadcast v4, $0x0;
	[tilespmem:s7+$0x40] =	vst v0  }
0x4c: {  	[tilespmem:s7+$0x50] =	vst v0  }
0x4d: {  	[tilespmem:s7+$0x60] =	vst v0  }
0x4e: {  	[tilespmem:s7+$0x80] =	vst v1  }
0x4f: {  	[tilespmem:s7+$0x90] =	vst v1  }
0x50: {  	v0 =	vld.idx.msk [tilespmem:v3+s17+$0x0], $0xffff;
	[tilespmem:s7+$0xA0] =	vst v1  }
0x51: {  	v3 =	vld.idx.msk [tilespmem:v2+s17+$0x0], $0xffff;
	[tilespmem:s7+$0xB0] =	vst v1  }
0x52: {  	v2 =	vld.idx.msk [tilespmem:v4+s17+$0x0], $0xffff;
	[tilespmem:s7+$0xC0] =	vst v1  }
0x53: {  	v4 =	vld.idx.msk [tilespmem:v5+s17+$0x0], $0xffff;
	[tilespmem:s7+$0xD0] =	vst v1  }
0x54: {  	[tilespmem:s7+$0xE0] =	vst v1  }
0x55: {  	[tilespmem:s7+$0xF0] =	vst v1;
	s7 =	sadd.s32 $0x200, s7  }
0x56: {  	[tilespmem:s7+$0x70] =	vst v0  }
0x57: {  	[tilespmem:s7+$0xFFFFFF00] =	vst v3  }
0x58: {  	[tilespmem:s7+$0xFFFFFF10] =	vst v3  }
0x59: {  	v1 =	vmov v4;
	[tilespmem:s7+$0xFFFFFF20] =	vst v3  }
0x5a: {  	[tilespmem:s7+$0xFFFFFF30] =	vst v3  }
0x5b: {  	[tilespmem:s7+$0xFFFFFF40] =	vst v3  }
0x5c: {  	[tilespmem:s7+$0xFFFFFF50] =	vst v3  }
0x5d: {  	[tilespmem:s7+$0xFFFFFF60] =	vst v3  }
0x5e: {  	[tilespmem:s7+$0xFFFFFF70] =	vst v3  }
0x5f: {  	[tilespmem:s7+$0xFFFFFF80] =	vst v2  }
0x60: {  	[tilespmem:s7+$0xFFFFFF90] =	vst v2  }
.Ltmp0:
0x61: {  	[tilespmem:s7+$0xFFFFFFA0] =	vst v2;
	(pc) =	sbr.rel @p0 .LBB2_3-.Ltmp0, $4  }
0x62: {  	[tilespmem:s7+$0xFFFFFFB0] =	vst v2  }
0x63: {  	[tilespmem:s7+$0xFFFFFFC0] =	vst v2  }
0x64: {  	[tilespmem:s7+$0xFFFFFFD0] =	vst v2  }
0x65: {  	[tilespmem:s7+$0xFFFFFFE0] =	vst v2  }
0x66: {  	[tilespmem:s7+$0xFFFFFFF0] =	vst v2  }
0x67: {  	[tilespmem:s7+$0x0] =	vst v0  }
0x68: {  	[tilespmem:s7+$0x10] =	vst v0  }
0x69: {  	[tilespmem:s7+$0x20] =	vst v0  }
0x6a: {  	[tilespmem:s7+$0x30] =	vst v0  }
0x6b: {  	[tilespmem:s7+$0x40] =	vst v0  }
0x6c: {  	[tilespmem:s7+$0x50] =	vst v0  }
0x6d: {  	[tilespmem:s7+$0x60] =	vst v0  }
0x6e: {  	[tilespmem:s7+$0x80] =	vst v1  }
0x6f: {  	[tilespmem:s7+$0x90] =	vst v1  }
0x70: {  	[tilespmem:s7+$0xA0] =	vst v1  }
0x71: {  	[tilespmem:s7+$0xB0] =	vst v1  }
0x72: {  	[tilespmem:s7+$0xC0] =	vst v1  }
0x73: {  	[tilespmem:s7+$0xD0] =	vst v1  }
0x74: {  	[tilespmem:s7+$0xE0] =	vst v1  }
0x75: {  	[tilespmem:s7+$0xF0] =	vst v1  }
0x76: {  	_ =	swait.ge [sflag:s22], $0x4000  }
0x77: {  	s3 =	smul.u32 $0x300000, s0;
	[sflag:s22] =	ssyncset.done $0x0  }
0x78: {  	[sflag:s22] =	ssyncadd.s32 $0xFFFFC000  }
0x79: {  	s3 =	sadd.s32 s9, s3;
	_ =	swait.ge [sflag:s22], $0x4000  }
0x7a: {  	s3 =	sshrl.u32 s3, $0x3;
	[sflag:s22] =	ssyncset.done $0x0  }
0x7b: {  	s14 =	sadd.s32 s2, s3;
	[sflag:s22] =	ssyncadd.s32 $0xFFFFC000  }
0x7c: {  	[hbm4b:s14+s16] =	stream.strided.scatter [tilespmem:s18], [sflag:$0x3], $0x4000, s23, s16, $0x38;
	[tilespmem:$0x1D100] =	vst v63  }
0x7d: {  	s8 =	sadd.s32 s3, s10  }
0x7e: {  	[hbm4b:s8+s16] =	stream.strided.scatter [tilespmem:s19], [sflag:$0x3], $0x4000, s23, s16, $0x38;
	[tilespmem:$0x1D100] =	vst v63  }
0x7f: {  	s3 =	sadd.s32 s3, s11  }
0x80: {  	[hbm4b:s3+s16] =	stream.strided.scatter [tilespmem:s24], [sflag:$0x3], $0x4000, s23, s16, $0x38;
	[tilespmem:$0x1D100] =	vst v63  }
0x81: {  	_ =	swait.ge [sflag:s25], $0x4000  }
0x82: {  	[sflag:s25] =	ssyncset.done $0x0  }
0x83: {  	s3 =	sadd.s32 $0xFFFFFFFC, s31;
	[sflag:s25] =	ssyncadd.s32 $0xFFFFC000  }
0x84: {  	s12 =	sadd.s32 $0x86, s3;
	_ =	swait.ge [sflag:s25], $0x4000  }
0x85: {  	s8 =	sadd.s32 $0x84, s3;
	v0 =	vmov s12;
	[sflag:s25] =	ssyncset.done $0x0  }
0x86: {  	v1 =	vmov s8;
	v0 =	vand.u32 $0xFFFFFFFE, v0;
	[sflag:s25] =	ssyncadd.s32 $0xFFFFC000  }
0x87: {  	p0 =	seq.s32 s0, $0x18;
	v1 =	vand.u32 $0xFFFFFFFC, v1;
	v0 =	vbroadcast v0, $0x0;
	_ =	swait.ge [sflag:s25], $0x4000  }
0x88: {  	s7 =	sadd.s32 @!p0 $0x100, s6;
	v1 =	vbroadcast v1, $0x0;
	[sflag:s25] =	ssyncset.done $0x0  }
0x89: {  	s8 =	simm.s32 @!p0 $0x80;
	s12 =	simm.s32 @!p0 $0x5100;
	[sflag:s25] =	ssyncadd.s32 $0xFFFFC000  }
0x8a: {  	[tilespmem:s12], [sflag:$0x1] =	stream.indirect.gather @!p0 [hbm4b:s4+s8], $0x80, s7, s8, $0xb8;
	[tilespmem:$0x1D100] =	vst v63  }
0x8b: {  	s6 =	sadd.s32 @!p0 $0x1D00, s6;
	s7 =	simm.s32 @!p0 $0xD100  }
0x8c: {  	[tilespmem:s7], [sflag:$0x1] =	stream.indirect.gather @!p0 [hbm4b:s5+s8], $0x80, s6, s8, $0xb8;
	[tilespmem:$0x1D100] =	vst v63  }
0x8d: {  	s14 =	sadd.s32 $0x85, s3;
	v0 =	vld.idx.msk [tilespmem:v0+s17+$0x0], $0xffff  }
0x8e: {  	v2 =	vmov s14;
	v1 =	vld.idx.msk [tilespmem:v1+s17+$0x0], $0xffff  }
0x8f: {  	v2 =	vand.u32 $0xFFFFFFFD, v2  }
0x90: {  	v2 =	vbroadcast v2, $0x0  }
0x91: {  	s6 =	simm.s32 $0x19200  }
0x92: {  	[tilespmem:s6+$0x70] =	vst v0  }
0x93: {  	[tilespmem:s6+$0xFFFFFF00] =	vst v1  }
0x94: {  	[tilespmem:s6+$0xFFFFFF10] =	vst v1  }
0x95: {  	[tilespmem:s6+$0xFFFFFF20] =	vst v1  }
0x96: {  	v2 =	vld.idx.msk [tilespmem:v2+s17+$0x0], $0xffff;
	[tilespmem:s6+$0xFFFFFF30] =	vst v1  }
0x97: {  	[tilespmem:s6+$0xFFFFFF40] =	vst v1  }
0x98: {  	[tilespmem:s6+$0xFFFFFF50] =	vst v1  }
0x99: {  	[tilespmem:s6+$0xFFFFFF60] =	vst v1  }
0x9a: {  	[tilespmem:s6+$0xFFFFFF70] =	vst v1  }
0x9b: {  	s3 =	sadd.s32 $0x87, s3;
	[tilespmem:s6+$0xFFFFFF80] =	vst v2  }
0x9c: {  	v1 =	vmov s3;
	[tilespmem:s6+$0xFFFFFF90] =	vst v2  }
0x9d: {  	[tilespmem:s6+$0xFFFFFFA0] =	vst v2  }
0x9e: {  	[tilespmem:s6+$0xFFFFFFB0] =	vst v2  }
0x9f: {  	[tilespmem:s6+$0xFFFFFFC0] =	vst v2  }
0xa0: {  	[tilespmem:s6+$0xFFFFFFD0] =	vst v2  }
0xa1: {  	s7 =	simm.s32 $0x0;
	[tilespmem:s6+$0xFFFFFFE0] =	vst v2;
	v1 =	vld.idx.msk [tilespmem:v1+s17+$0x0], $0xffff  }
.LBB2_5:
0xa2: {  	s3 =	sadd.s32 s7, s31;
	s7 =	sadd.s32 $0x4, s7;
	[tilespmem:s6+$0xFFFFFFF0] =	vst v2  }
0xa3: {  	s8 =	sadd.s32 $0x84, s3;
	s12 =	sadd.s32 $0x86, s3;
	p0 =	slt.u32 s7, $0x7C;
	[tilespmem:s6+$0x0] =	vst v0  }
0xa4: {  	v2 =	vmov s8;
	s8 =	sadd.s32 $0x85, s3;
	v3 =	vmov s12;
	s3 =	sadd.s32 $0x87, s3;
	[tilespmem:s6+$0x10] =	vst v0  }
0xa5: {  	v2 =	vand.u32 $0xFFFFFFFC, v2;
	v4 =	vmov s8;
	v3 =	vand.u32 $0xFFFFFFFE, v3;
	[tilespmem:s6+$0x20] =	vst v0  }
0xa6: {  	v2 =	vbroadcast v2, $0x0;
	v4 =	vand.u32 $0xFFFFFFFD, v4;
	v3 =	vbroadcast v3, $0x0;
	[tilespmem:s6+$0x30] =	vst v0  }
0xa7: {  	v5 =	vmov s3;
	v4 =	vbroadcast v4, $0x0;
	[tilespmem:s6+$0x40] =	vst v0  }
0xa8: {  	[tilespmem:s6+$0x50] =	vst v0  }
0xa9: {  	[tilespmem:s6+$0x60] =	vst v0  }
0xaa: {  	[tilespmem:s6+$0x80] =	vst v1  }
0xab: {  	[tilespmem:s6+$0x90] =	vst v1  }
0xac: {  	v0 =	vld.idx.msk [tilespmem:v3+s17+$0x0], $0xffff;
	[tilespmem:s6+$0xA0] =	vst v1  }
0xad: {  	v3 =	vld.idx.msk [tilespmem:v2+s17+$0x0], $0xffff;
	[tilespmem:s6+$0xB0] =	vst v1  }
0xae: {  	v2 =	vld.idx.msk [tilespmem:v4+s17+$0x0], $0xffff;
	[tilespmem:s6+$0xC0] =	vst v1  }
0xaf: {  	v4 =	vld.idx.msk [tilespmem:v5+s17+$0x0], $0xffff;
	[tilespmem:s6+$0xD0] =	vst v1  }
0xb0: {  	[tilespmem:s6+$0xE0] =	vst v1  }
0xb1: {  	[tilespmem:s6+$0xF0] =	vst v1;
	s6 =	sadd.s32 $0x200, s6  }
0xb2: {  	[tilespmem:s6+$0x70] =	vst v0  }
0xb3: {  	[tilespmem:s6+$0xFFFFFF00] =	vst v3  }
0xb4: {  	[tilespmem:s6+$0xFFFFFF10] =	vst v3  }
0xb5: {  	v1 =	vmov v4;
	[tilespmem:s6+$0xFFFFFF20] =	vst v3  }
0xb6: {  	[tilespmem:s6+$0xFFFFFF30] =	vst v3  }
0xb7: {  	[tilespmem:s6+$0xFFFFFF40] =	vst v3  }
0xb8: {  	[tilespmem:s6+$0xFFFFFF50] =	vst v3  }
0xb9: {  	[tilespmem:s6+$0xFFFFFF60] =	vst v3  }
0xba: {  	[tilespmem:s6+$0xFFFFFF70] =	vst v3  }
0xbb: {  	[tilespmem:s6+$0xFFFFFF80] =	vst v2  }
0xbc: {  	[tilespmem:s6+$0xFFFFFF90] =	vst v2  }
.Ltmp1:
0xbd: {  	[tilespmem:s6+$0xFFFFFFA0] =	vst v2;
	(pc) =	sbr.rel @p0 .LBB2_5-.Ltmp1, $4  }
0xbe: {  	[tilespmem:s6+$0xFFFFFFB0] =	vst v2  }
0xbf: {  	[tilespmem:s6+$0xFFFFFFC0] =	vst v2  }
0xc0: {  	[tilespmem:s6+$0xFFFFFFD0] =	vst v2  }
0xc1: {  	[tilespmem:s6+$0xFFFFFFE0] =	vst v2  }
0xc2: {  	[tilespmem:s6+$0xFFFFFFF0] =	vst v2  }
0xc3: {  	[tilespmem:s6+$0x0] =	vst v0  }
0xc4: {  	[tilespmem:s6+$0x10] =	vst v0  }
0xc5: {  	[tilespmem:s6+$0x20] =	vst v0  }
0xc6: {  	[tilespmem:s6+$0x30] =	vst v0  }
0xc7: {  	[tilespmem:s6+$0x40] =	vst v0  }
0xc8: {  	[tilespmem:s6+$0x50] =	vst v0  }
0xc9: {  	[tilespmem:s6+$0x60] =	vst v0  }
0xca: {  	[tilespmem:s6+$0x80] =	vst v1  }
0xcb: {  	[tilespmem:s6+$0x90] =	vst v1  }
0xcc: {  	[tilespmem:s6+$0xA0] =	vst v1  }
0xcd: {  	[tilespmem:s6+$0xB0] =	vst v1  }
0xce: {  	[tilespmem:s6+$0xC0] =	vst v1  }
0xcf: {  	[tilespmem:s6+$0xD0] =	vst v1  }
0xd0: {  	[tilespmem:s6+$0xE0] =	vst v1  }
0xd1: {  	[tilespmem:s6+$0xF0] =	vst v1  }
0xd2: {  	_ =	swait.ge [sflag:s26], $0x4000  }
0xd3: {  	s1 =	smul.u32 $0x180000, s1;
	[sflag:s26] =	ssyncset.done $0x0  }
0xd4: {  	[sflag:s26] =	ssyncadd.s32 $0xFFFFC000  }
0xd5: {  	s1 =	sadd.s32 s9, s1;
	_ =	swait.ge [sflag:s26], $0x4000  }
0xd6: {  	s0 =	sadd.s32 $0x1, s0;
	s1 =	sshrl.u32 s1, $0x3;
	[sflag:s26] =	ssyncset.done $0x0  }
0xd7: {  	p0 =	sne.s32 s0, $0x19;
	s3 =	sadd.s32 s2, s1;
	[sflag:s26] =	ssyncadd.s32 $0xFFFFC000  }
0xd8: {  	[hbm4b:s3+s16] =	stream.strided.scatter [tilespmem:s20], [sflag:$0x4], $0x4000, s23, s16, $0x38;
	[tilespmem:$0x1D100] =	vst v63  }
.Ltmp2:
0xd9: {  	_ = 	snop;
	(pc) =	sbr.rel @p0 .LBB2_2-.Ltmp2, $4  }
0xda: {  	s14 =	sadd.s32 s1, s10  }
0xdb: {  	[hbm4b:s14+s16] =	stream.strided.scatter [tilespmem:s21], [sflag:$0x4], $0x4000, s23, s16, $0x38;
	[tilespmem:$0x1D100] =	vst v63  }
0xdc: {  	s31 =	sadd.s32 $0x100, s31;
	s1 =	sadd.s32 s1, s11  }
0xdd: {  	[hbm4b:s1+s16] =	stream.strided.scatter [tilespmem:s28], [sflag:$0x4], $0x4000, s23, s16, $0x38;
	[tilespmem:$0x1D100] =	vst v63  }
0xde: {  	_ =	swait.ge [sflag:s29], $0x4000  }
0xdf: {  	[sflag:s29] =	ssyncset.done $0x0  }
0xe0: {  	[sflag:s29] =	ssyncadd.s32 $0xFFFFC000  }
0xe1: {  	_ =	swait.ge [sflag:s29], $0x4000  }
0xe2: {  	[sflag:s29] =	ssyncset.done $0x0  }
0xe3: {  	[sflag:s29] =	ssyncadd.s32 $0xFFFFC000  }
0xe4: {  	_ =	swait.ge [sflag:s29], $0x4000  }
0xe5: {  	s30 =	sadd.s32 $0x1, s30;
	s0 =	rddreg [dreg:$0x6]  }
0xe6: {  	p0 =	sne.s32 s30, s0  }
.Ltmp3:
0xe7: {  	_ = 	snop;
	(pc) =	sbr.rel @p0 .LBB2_1-.Ltmp3, $3  }
0xe8: {  	_ =	sdelay $0x1  }
0xe9: {  	[sflag:s29] =	ssyncset.done $0x0  }
0xea: {  	[sflag:s29] =	ssyncadd.s32 $0xFFFFC000  }
0xeb: {  	_ =	sfence.sel $0x180000  }
0xec: {  	[bflag:$0x0] =	sbarrier.arrive $0xFFFF  }
0xed: {  	_ =	strace $0x90000047  }
0xee: {  	s0 =	stileid.u32;
	[bflag:$0x2] =	sbarrier.arrive $0xFFFF  }
0xef: {  	p0 =	sne.s32 s0, $0x0;
	s0 =	rddreg [dreg:$0x2]  }
0xf0: {  	s0 =	sadd.s32 @!p0 $0x100000, s0  }
0xf1: {  	[sflag:s0] =	ssyncadd.tile.s32 @!p0 $0x1;
	_ =	shalt  }
.Lfunc_end2:
_tile_overlayer_lowered:
.L_overlay_start_2:
0xf2: {  	(tag) =	ssettag $0x2  }
0xf3: {  	s0 =	rddreg [dreg:$0x0];
	s2 =	stileid.u32  }
0xf4: {  	s1 =	rddreg [dreg:$0x1];
	p0 =	sne.s32 s2, $0x0  }
0xf5: {  	s3 =	rddreg [dreg:$0x2];
	[bflag:$0x3] =	sbarrier.arrive $0xFFFF;
	s2 =	simm.s32 @!p0 $0x1C05  }
0xf6: {  	[timem:s3], [sflag:s2] =	dma.local @!p0 [hbm:s0], s1  }
0xf7: {  	s0 =	simm.s32 @!p0 $0x5  }
0xf8: {  	_ =	swait.ge @!p0 [sflag:s0], s1  }
0xf9: {  	s1 =	ssub.s32 @!p0 $0x0, s1;
	[sflag:s0] =	ssyncset.done @!p0 $0x0  }
0xfa: {  	[sflag:s0] =	ssyncadd.s32 @!p0 s1  }
0xfb: {  	[bflag:$0x3] =	sbarrier.arrive $0xFFFF  }
0xfc: {  	_ =	shalt  }

</sc_bundles>
